<compile_context>
chip_gen: v7x
topology: tpu7x:2x2x1
jax: 0.10.2.dev20260603
libtpu: 0.0.44.dev20260713+nightly
codegen_flags: <defaults>
</compile_context>

<pallas_src>
import functools

import jax
import jax.numpy as jnp
from jax import lax
from jax.experimental import pallas as pl
from jax.experimental.pallas import tpu as pltpu
from jax.experimental.pallas import tpu_sc as plsc

_F = 26
_U = 100000
_C = 16
_B = 16384
_LANES = 128
_ROWS = (_U * _C) // _LANES
_MAGIC = 12582912.0
_SCALE = 256.0


def _lse_body(fl_ref, out_ref):
    xx = fl_ref[0]
    e = jnp.exp(xx)
    tot = jnp.sum(e, axis=1)
    out_ref[0] = (jnp.log(tot) * _SCALE).reshape(1, _C)


_W = 1024
_WT = 1152
_NCH = 98
_TASKS = _F * _NCH
_RPAD = 12504
_UPAD = _RPAD * 8


def _make_pack_kernel(nc, ns):
    nw = nc * ns
    ntasks_per = -(-_TASKS // nw)
    mesh = plsc.VectorSubcoreMesh(core_axis_name="c", subcore_axis_name="s")

    @functools.partial(
        pl.kernel,
        mesh=mesh,
        out_type=jax.ShapeDtypeStruct((_F * _RPAD * _LANES,), jnp.float32),
        scratch_types=[
            pltpu.VMEM((_C, _WT), jnp.float32),
            pltpu.VMEM((_WT * 17 + _C,), jnp.float32),
            pltpu.VMEM((_WT * _C,), jnp.float32),
            pltpu.SemaphoreType.DMA,
        ],
        compiler_params=pltpu.CompilerParams(
            use_tc_tiling_on_sc=True, disable_bounds_checks=True,
            needs_layout_passes=False),
    )
    def pack_kernel(src, out, slab_v, mid_v, stg_v, sem):
        wid = lax.axis_index("s") * nc + lax.axis_index("c")
        iota16 = lax.iota(jnp.int32, 16)
        iota17 = iota16 * 17

        def t_body(i, _):
            t = jnp.minimum(wid + i * nw, _TASKS - 1)
            f = t // _NCH
            cc = t - f * _NCH
            is_tail = cc == _NCH - 1
            u0 = pl.multiple_of(jnp.where(is_tail, 98944, cc * _W), 128)
            cnt = jnp.where(is_tail, 1088, _W)

            @pl.when(is_tail)
            def _():
                pltpu.async_copy(src.at[f, :, pl.ds(u0, _WT)], slab_v,
                                 sem).wait()

            @pl.when(jnp.logical_not(is_tail))
            def _():
                pltpu.async_copy(src.at[f, :, pl.ds(u0, _W)],
                                 slab_v.at[:, pl.ds(0, _W)], sem).wait()

            @plsc.parallel_loop(0, cnt >> 4, unroll=2)
            def blk_body(bi):
                for c in range(_C):
                    a = slab_v[c, pl.ds(bi * 16, 16)]
                    plsc.store_scatter(mid_v, [iota17 + (bi * 272 + c)], a)

            @plsc.parallel_loop(0, cnt, unroll=16)
            def row_body(u):
                row = plsc.load_gather(mid_v, [iota16 + u * 17])
                stg_v[pl.ds(u * _C, _C)] = row

            obase = pl.multiple_of((f * _RPAD + u0 // 8) * _LANES, 1024)

            @pl.when(is_tail)
            def _():
                pltpu.sync_copy(stg_v.at[pl.ds(0, 136 * _LANES)],
                                out.at[pl.ds(obase, 136 * _LANES)])

            @pl.when(jnp.logical_not(is_tail))
            def _():
                pltpu.sync_copy(stg_v.at[pl.ds(0, _W * _C)],
                                out.at[pl.ds(obase, _W * _C)])

            return 0

        lax.fori_loop(0, ntasks_per, t_body, 0)

    return pack_kernel


def _make_sc_kernel(nc, ns):
    nw = nc * ns
    bpw = _B // nw
    nch = bpw // 128
    mesh = plsc.VectorSubcoreMesh(core_axis_name="c", subcore_axis_name="s")

    @functools.partial(
        pl.kernel,
        mesh=mesh,
        out_type=jax.ShapeDtypeStruct((_B, _C), jnp.float32),
        scratch_types=[
            pltpu.VMEM((nch, 128), jnp.int32),
            pltpu.VMEM((bpw, _C), jnp.float32),
            pltpu.VMEM((bpw, _C), jnp.float32),
            pltpu.VMEM((_C,), jnp.float32),
            pltpu.VMEM((_C,), jnp.float32),
            pltpu.SemaphoreType.DMA,
        ],
        compiler_params=pltpu.CompilerParams(use_tc_tiling_on_sc=False),
    )
    def sc_kernel(table, xplus, lse, clq, out, idx_v, rows_v, acc_v, lse_v,
                  clq_v, sem):
        wid = lax.axis_index("s") * nc + lax.axis_index("c")
        base = wid * bpw

        def zero_body(i, _):
            acc_v[i, :] = jnp.zeros((_C,), jnp.float32)
            return 0

        lax.fori_loop(0, bpw, zero_body, 0)

        def f_body(f, _):
            pltpu.sync_copy(xplus.at[f, pl.ds(wid * nch, nch)], idx_v)
            cps = [
                pltpu.async_copy(table.at[idx_v.at[j]],
                                 rows_v.at[pl.ds(j * 128, 128)], sem)
                for j in range(nch)
            ]
            pltpu.sync_copy(lse.at[f, pl.ds(0, _C)], lse_v)
            for cp in cps:
                cp.wait()
            lv = lse_v[...]

            def r_body(i, _):
                g = rows_v[i, :]
                t = (lv - g * _SCALE) + _MAGIC
                acc_v[i, :] = acc_v[i, :] + (t - _MAGIC)
                return 0

            lax.fori_loop(0, bpw, r_body, 0)
            return 0

        lax.fori_loop(0, _F, f_body, 0)

        pltpu.sync_copy(clq, clq_v)
        cv = clq_v[...]

        def e_body(i, _):
            acc_v[i, :] = cv - acc_v[i, :] * (1.0 / _SCALE)
            return 0

        lax.fori_loop(0, bpw, e_body, 0)
        pltpu.sync_copy(acc_v, out.at[pl.ds(base, bpw)])

    return sc_kernel


def kernel(x, training, class_logits, feature_logits):
    ftr = jnp.transpose(feature_logits, (0, 2, 1))
    lse3 = pl.pallas_call(
        _lse_body,
        grid=(_F,),
        in_specs=[pl.BlockSpec((1, _C, _U), lambda f: (f, 0, 0))],
        out_specs=pl.BlockSpec((1, 1, _C), lambda f: (f, 0, 0)),
        out_shape=jax.ShapeDtypeStruct((_F, 1, _C), jnp.float32),
        compiler_params=pltpu.CompilerParams(
            dimension_semantics=("arbitrary",)),
    )(ftr)
    lse256 = lse3.reshape(_F, _C)

    cl = class_logits - jax.scipy.special.logsumexp(class_logits)
    maxv = 2.0 ** 8 - 2.0 ** -8
    clq = -jnp.clip(jnp.round(-cl * _SCALE) / _SCALE, 0.0, maxv)

    info = plsc.get_sparse_core_info()
    packed = _make_pack_kernel(info.num_cores, info.num_subcores)(ftr)
    table = packed.reshape(_F * _UPAD, _C)

    offs = (jnp.arange(_F, dtype=jnp.int32) * _UPAD)[:, None]
    xplus = (x.T + offs).reshape(_F, _B // 128, 128)

    sc = _make_sc_kernel(info.num_cores, info.num_subcores)
    return sc(table, xplus, lse256, clq)

# --- scband reference (transcript-rebuilt; emitter-appended) ---
"""Pipeline reference for scband-quantized-bayes-net-classifier-37194416783931 (READ-ONLY COPY).

The authoritative reference and input builder live on the scoring server;
editing this copy changes nothing except your own understanding.
"""

import jax, jax.numpy as jnp
import numpy as np

N_CLASSES = 16
N_FEATURES = 26
N_UNIQUE = 100000
BATCH = 16384
N_BITS_INTEGER = 8.0
N_BITS_FRACTIONAL = 8.0


def _round_positive_fixed_point(v, n_bits_integer, n_bits_fractional):
    scale = 2.0 ** n_bits_fractional
    max_val = 2.0 ** n_bits_integer - 2.0 ** (-n_bits_fractional)
    return jnp.clip(jnp.round(v * scale) / scale, 0.0, max_val)


def setup_inputs(seed: int = 0) -> dict:
    key = jax.random.key(seed)
    k1, k2, k3 = jax.random.split(key, 3)
    x = jax.random.randint(k1, (BATCH, N_FEATURES), 0, N_UNIQUE, dtype=jnp.int32)
    class_logits = jax.random.uniform(k2, (N_CLASSES,), minval=-0.1, maxval=0.1, dtype=jnp.float32)
    feature_logits = jax.random.uniform(k3, (N_FEATURES, N_UNIQUE, N_CLASSES), minval=-0.1, maxval=0.1, dtype=jnp.float32)
    return {"x": x, "training": 0, "class_logits": class_logits, "feature_logits": feature_logits}


def reference(x, training, class_logits, feature_logits):
    # class prior logits, log-normalized then quantized (negated fixed-point round)
    cl = class_logits - jax.scipy.special.logsumexp(class_logits)
    cl = -_round_positive_fixed_point(-cl, N_BITS_INTEGER, N_BITS_FRACTIONAL)
    # per-feature conditional logits, normalized over the unique-value axis
    fl = feature_logits - jax.scipy.special.logsumexp(feature_logits, axis=1, keepdims=True)
    fl = -_round_positive_fixed_point(-fl, N_BITS_INTEGER, N_BITS_FRACTIONAL)
    # gather per-feature class-conditional log-probs: [F, B, C]
    gathered = fl[jnp.arange(N_FEATURES)[:, None], x.T]
    out = cl[None, :] + jnp.sum(gathered, axis=0)
    return out

if __name__ == "__main__":
    import jax
    _d = setup_inputs()
    print(jax.jit(kernel)(*tuple(_d.values())))

</pallas_src>

<mosaic_0001>
#map = affine_map<(d0, d1) -> (0, 0, 0)>
#map1 = affine_map<(d0, d1) -> (0)>
module attributes {stable_mosaic.version = 14 : i64} {
  func.func @pack_kernel(%arg0: i32, %arg1: i32, %arg2: memref<26x16x100000xf32, #tpu.memory_space<hbm>>, %arg3: memref<41613312xf32, #tpu.memory_space<hbm>>, %arg4: memref<16x1152xf32, #tpu.memory_space<vmem>>, %arg5: memref<19600xf32, #tpu.memory_space<vmem>>, %arg6: memref<18432xf32, #tpu.memory_space<vmem>>, %arg7: memref<!tpu.dma_semaphore, #tpu.memory_space<semaphore_mem>>) attributes {dimension_semantics = [#tpu.dimension_semantics<core_parallel>, #tpu.dimension_semantics<subcore_parallel>], iteration_bounds = array<i64: 2, 16>, scalar_prefetch = 0 : i64, scratch_operands = 4 : i64, tpu.core_type = #tpu.core_type<sc_vector_subcore>, window_params = [{transform_indices = #map}, {transform_indices = #map1}]} {
    %mul3A = arith.constant 2 : i32
    %mul3A_0 = arith.muli %arg1, %mul3A : i32
    %add3A = arith.addi %mul3A_0, %arg0 : i32
    %iota3A = tpu.iota {dimensions = array<i32: 0>} : vector<16xi32>
    %mul3A_1 = arith.constant 17 : i32
    %mul3A_2 = vector.broadcast %mul3A_1 : i32 to vector<16xi32>
    %mul3A_3 = arith.muli %iota3A, %mul3A_2 : vector<16xi32>
    %scan3A = arith.constant 0 : i32
    %scan3A_4 = arith.constant 0 : i32
    %scan3A_5 = arith.constant 80 : i32
    %scan3A_6 = arith.addi %scan3A_4, %scan3A_5 : i32
    %scan3A_7 = arith.constant 1 : i32
    %scan3A_8 = scf.for %scan3A_10 = %scan3A_4 to %scan3A_6 step %scan3A_7 iter_args(%scan3A_11 = %scan3A) -> (i32)  : i32 {
      %mul3A_12 = arith.constant 32 : i32
      %mul3A_13 = arith.muli %scan3A_10, %mul3A_12 : i32
      %add3A_14 = arith.addi %add3A, %mul3A_13 : i32
      %min3A = arith.constant 2547 : i32
      %min3A_15 = arith.minsi %add3A_14, %min3A : i32
      %jit3A = arith.constant 98 : i32
      %div3A = arith.divsi %min3A_15, %jit3A : i32
      %sign3A = arith.constant 0 : i32
      %sign3A_16 = arith.cmpi sgt, %min3A_15, %sign3A : i32
      %sign3A_17 = arith.extui %sign3A_16 : i1 to i32
      %sign3A_18 = arith.constant 0 : i32
      %sign3A_19 = arith.cmpi slt, %min3A_15, %sign3A_18 : i32
      %sign3A_20 = arith.extui %sign3A_19 : i1 to i32
      %sign3A_21 = arith.subi %sign3A_17, %sign3A_20 : i32
      %sign3A_22 = arith.constant 0 : i32
      %sign3A_23 = arith.cmpi sgt, %jit3A, %sign3A_22 : i32
      %sign3A_24 = arith.extui %sign3A_23 : i1 to i32
      %sign3A_25 = arith.constant 0 : i32
      %sign3A_26 = arith.cmpi slt, %jit3A, %sign3A_25 : i32
      %sign3A_27 = arith.extui %sign3A_26 : i1 to i32
      %sign3A_28 = arith.subi %sign3A_24, %sign3A_27 : i32
      %ne3A = arith.cmpi ne, %sign3A_21, %sign3A_28 : i32
      %rem3A = arith.remsi %min3A_15, %jit3A : i32
      %ne3A_29 = arith.constant 0 : i32
      %ne3A_30 = arith.cmpi ne, %rem3A, %ne3A_29 : i32
      %and3A = arith.andi %ne3A, %ne3A_30 : i1
      %sub3A = arith.constant 1 : i32
      %sub3A_31 = arith.subi %div3A, %sub3A : i32
      %select_n3A = arith.select %and3A, %sub3A_31, %div3A : i32
      %mul3A_32 = arith.constant 98 : i32
      %mul3A_33 = arith.muli %select_n3A, %mul3A_32 : i32
      %sub3A_34 = arith.subi %min3A_15, %mul3A_33 : i32
      %eq3A = arith.constant 97 : i32
      %eq3A_35 = arith.cmpi eq, %sub3A_34, %eq3A : i32
      %mul3A_36 = arith.constant 1024 : i32
      %mul3A_37 = arith.muli %sub3A_34, %mul3A_36 : i32
      %jit3A_38 = arith.constant 98944 : i32
      %select_n3A_39 = arith.select %eq3A_35, %jit3A_38, %mul3A_37 : i32
      %multiple_of3A = tpu.assume_multiple %select_n3A_39, 128 : i32
      %jit3A_40 = arith.constant 1088 : i32
      %jit3A_41 = arith.constant 1024 : i32
      %select_n3A_42 = arith.select %eq3A_35, %jit3A_40, %jit3A_41 : i32
      %convert_element_type3A = arith.extui %eq3A_35 : i1 to i32
      %cond3A = arith.constant 0 : i32
      %cond3A_43 = arith.cmpi ne, %convert_element_type3A, %cond3A : i32
      scf.if %cond3A_43 {
        %dma_start3A = arith.constant 0 : i32
        %dma_start3A_91 = tpu.memref_slice %arg2[%select_n3A, %dma_start3A, %multiple_of3A] : memref<26x16x100000xf32, #tpu.memory_space<hbm>> -> memref<1x16x1152xf32, #tpu.memory_space<hbm>>
        %dma_start3A_92 = tpu.memref_squeeze %dma_start3A_91 : memref<1x16x1152xf32, #tpu.memory_space<hbm>> -> memref<16x1152xf32, #tpu.memory_space<hbm>>
        %dma_start3A_93 = arith.constant 0 : i32
        %dma_start3A_94 = tpu.memref_slice %arg2[%select_n3A, %dma_start3A_93, %multiple_of3A] : memref<26x16x100000xf32, #tpu.memory_space<hbm>> -> memref<1x16x1152xf32, #tpu.memory_space<hbm>>
        %dma_start3A_95 = tpu.memref_squeeze %dma_start3A_94 : memref<1x16x1152xf32, #tpu.memory_space<hbm>> -> memref<16x1152xf32, #tpu.memory_space<hbm>>
        tpu.enqueue_dma source(%dma_start3A_95 : memref<16x1152xf32, #tpu.memory_space<hbm>>) target(%arg4 : memref<16x1152xf32, #tpu.memory_space<vmem>>) target_semaphore(%arg7 : memref<!tpu.dma_semaphore, #tpu.memory_space<semaphore_mem>>)
        %dma_wait3A = arith.constant 0 : i32
        %dma_wait3A_96 = tpu.memref_slice %arg2[%select_n3A, %dma_wait3A, %multiple_of3A] : memref<26x16x100000xf32, #tpu.memory_space<hbm>> -> memref<1x16x1152xf32, #tpu.memory_space<hbm>>
        %dma_wait3A_97 = tpu.memref_squeeze %dma_wait3A_96 : memref<1x16x1152xf32, #tpu.memory_space<hbm>> -> memref<16x1152xf32, #tpu.memory_space<hbm>>
        %dma_wait3A_98 = arith.constant 0 : i32
        %dma_wait3A_99 = tpu.memref_slice %arg2[%select_n3A, %dma_wait3A_98, %multiple_of3A] : memref<26x16x100000xf32, #tpu.memory_space<hbm>> -> memref<1x16x1152xf32, #tpu.memory_space<hbm>>
        %dma_wait3A_100 = tpu.memref_squeeze %dma_wait3A_99 : memref<1x16x1152xf32, #tpu.memory_space<hbm>> -> memref<16x1152xf32, #tpu.memory_space<hbm>>
        tpu.wait_dma2 semaphore(%arg7 : memref<!tpu.dma_semaphore, #tpu.memory_space<semaphore_mem>>) src(%dma_wait3A_100 : memref<16x1152xf32, #tpu.memory_space<hbm>>) dst(%arg4 : memref<16x1152xf32, #tpu.memory_space<vmem>>)
      } else {
      }
      %not3A = arith.constant true
      %not3A_44 = arith.xori %eq3A_35, %not3A : i1
      %convert_element_type3A_45 = arith.extui %not3A_44 : i1 to i32
      %cond3A_46 = arith.constant 0 : i32
      %cond3A_47 = arith.cmpi ne, %convert_element_type3A_45, %cond3A_46 : i32
      scf.if %cond3A_47 {
        %dma_start3A = arith.constant 0 : i32
        %dma_start3A_91 = arith.constant 0 : i32
        %dma_start3A_92 = tpu.memref_slice %arg4[%dma_start3A, %dma_start3A_91] : memref<16x1152xf32, #tpu.memory_space<vmem>> -> memref<16x1024xf32, #tpu.memory_space<vmem>>
        %dma_start3A_93 = arith.constant 0 : i32
        %dma_start3A_94 = tpu.memref_slice %arg2[%select_n3A, %dma_start3A_93, %multiple_of3A] : memref<26x16x100000xf32, #tpu.memory_space<hbm>> -> memref<1x16x1024xf32, #tpu.memory_space<hbm>>
        %dma_start3A_95 = tpu.memref_squeeze %dma_start3A_94 : memref<1x16x1024xf32, #tpu.memory_space<hbm>> -> memref<16x1024xf32, #tpu.memory_space<hbm>>
        %dma_start3A_96 = arith.constant 0 : i32
        %dma_start3A_97 = arith.constant 0 : i32
        %dma_start3A_98 = tpu.memref_slice %arg4[%dma_start3A_96, %dma_start3A_97] : memref<16x1152xf32, #tpu.memory_space<vmem>> -> memref<16x1024xf32, #tpu.memory_space<vmem>>
        %dma_start3A_99 = arith.constant 0 : i32
        %dma_start3A_100 = tpu.memref_slice %arg2[%select_n3A, %dma_start3A_99, %multiple_of3A] : memref<26x16x100000xf32, #tpu.memory_space<hbm>> -> memref<1x16x1024xf32, #tpu.memory_space<hbm>>
        %dma_start3A_101 = tpu.memref_squeeze %dma_start3A_100 : memref<1x16x1024xf32, #tpu.memory_space<hbm>> -> memref<16x1024xf32, #tpu.memory_space<hbm>>
        tpu.enqueue_dma source(%dma_start3A_101 : memref<16x1024xf32, #tpu.memory_space<hbm>>) target(%dma_start3A_98 : memref<16x1024xf32, #tpu.memory_space<vmem>>) target_semaphore(%arg7 : memref<!tpu.dma_semaphore, #tpu.memory_space<semaphore_mem>>)
        %dma_wait3A = arith.constant 0 : i32
        %dma_wait3A_102 = arith.constant 0 : i32
        %dma_wait3A_103 = tpu.memref_slice %arg4[%dma_wait3A, %dma_wait3A_102] : memref<16x1152xf32, #tpu.memory_space<vmem>> -> memref<16x1024xf32, #tpu.memory_space<vmem>>
        %dma_wait3A_104 = arith.constant 0 : i32
        %dma_wait3A_105 = tpu.memref_slice %arg2[%select_n3A, %dma_wait3A_104, %multiple_of3A] : memref<26x16x100000xf32, #tpu.memory_space<hbm>> -> memref<1x16x1024xf32, #tpu.memory_space<hbm>>
        %dma_wait3A_106 = tpu.memref_squeeze %dma_wait3A_105 : memref<1x16x1024xf32, #tpu.memory_space<hbm>> -> memref<16x1024xf32, #tpu.memory_space<hbm>>
        %dma_wait3A_107 = arith.constant 0 : i32
        %dma_wait3A_108 = arith.constant 0 : i32
        %dma_wait3A_109 = tpu.memref_slice %arg4[%dma_wait3A_107, %dma_wait3A_108] : memref<16x1152xf32, #tpu.memory_space<vmem>> -> memref<16x1024xf32, #tpu.memory_space<vmem>>
        %dma_wait3A_110 = arith.constant 0 : i32
        %dma_wait3A_111 = tpu.memref_slice %arg2[%select_n3A, %dma_wait3A_110, %multiple_of3A] : memref<26x16x100000xf32, #tpu.memory_space<hbm>> -> memref<1x16x1024xf32, #tpu.memory_space<hbm>>
        %dma_wait3A_112 = tpu.memref_squeeze %dma_wait3A_111 : memref<1x16x1024xf32, #tpu.memory_space<hbm>> -> memref<16x1024xf32, #tpu.memory_space<hbm>>
        tpu.wait_dma2 semaphore(%arg7 : memref<!tpu.dma_semaphore, #tpu.memory_space<semaphore_mem>>) src(%dma_wait3A_112 : memref<16x1024xf32, #tpu.memory_space<hbm>>) dst(%dma_wait3A_109 : memref<16x1024xf32, #tpu.memory_space<vmem>>)
      } else {
      }
      %shift_right_arithmetic3A = arith.constant 4 : i32
      %shift_right_arithmetic3A_48 = arith.shrsi %select_n3A_42, %shift_right_arithmetic3A : i32
      %parallel_loop3A = arith.constant 0 : i32
      %parallel_loop3A_49 = arith.constant 1 : i32
      scf.for %parallel_loop3A_91 = %parallel_loop3A to %shift_right_arithmetic3A_48 step %parallel_loop3A_49  : i32 {
        %parallel_loop3A_92 = arith.constant 16 : i32
        %parallel_loop3A_93 = arith.muli %parallel_loop3A_91, %parallel_loop3A_92 : i32
        %parallel_loop3A_94 = arith.constant 0 : i32
        %parallel_loop3A_95 = arith.index_cast %parallel_loop3A_94 : i32 to index
        %parallel_loop3A_96 = arith.index_cast %parallel_loop3A_93 : i32 to index
        %parallel_loop3A_97 = tpu.vector_load %arg4[%parallel_loop3A_95, %parallel_loop3A_96] {strides = array<i32>} : memref<16x1152xf32, #tpu.memory_space<vmem>>, vector<16xf32>,
        %parallel_loop3A_98 = arith.constant 272 : i32
        %parallel_loop3A_99 = arith.muli %parallel_loop3A_91, %parallel_loop3A_98 : i32
        %parallel_loop3A_100 = arith.constant 0 : i32
        %parallel_loop3A_101 = arith.addi %parallel_loop3A_99, %parallel_loop3A_100 : i32
        %parallel_loop3A_102 = vector.broadcast %parallel_loop3A_101 : i32 to vector<16xi32>
        %parallel_loop3A_103 = arith.addi %mul3A_3, %parallel_loop3A_102 : vector<16xi32>
        tpu.vector_store_idx %arg5[%parallel_loop3A_103], %parallel_loop3A_97 : memref<19600xf32, #tpu.memory_space<vmem>>[vector<16xi32>], vector<16xf32>,
        %parallel_loop3A_104 = arith.constant 16 : i32
        %parallel_loop3A_105 = arith.muli %parallel_loop3A_91, %parallel_loop3A_104 : i32
        %parallel_loop3A_106 = arith.constant 1 : i32
        %parallel_loop3A_107 = arith.index_cast %parallel_loop3A_106 : i32 to index
        %parallel_loop3A_108 = arith.index_cast %parallel_loop3A_105 : i32 to index
        %parallel_loop3A_109 = tpu.vector_load %arg4[%parallel_loop3A_107, %parallel_loop3A_108] {strides = array<i32>} : memref<16x1152xf32, #tpu.memory_space<vmem>>, vector<16xf32>,
        %parallel_loop3A_110 = arith.constant 272 : i32
        %parallel_loop3A_111 = arith.muli %parallel_loop3A_91, %parallel_loop3A_110 : i32
        %parallel_loop3A_112 = arith.constant 1 : i32
        %parallel_loop3A_113 = arith.addi %parallel_loop3A_111, %parallel_loop3A_112 : i32
        %parallel_loop3A_114 = vector.broadcast %parallel_loop3A_113 : i32 to vector<16xi32>
        %parallel_loop3A_115 = arith.addi %mul3A_3, %parallel_loop3A_114 : vector<16xi32>
        tpu.vector_store_idx %arg5[%parallel_loop3A_115], %parallel_loop3A_109 : memref<19600xf32, #tpu.memory_space<vmem>>[vector<16xi32>], vector<16xf32>,
        %parallel_loop3A_116 = arith.constant 16 : i32
        %parallel_loop3A_117 = arith.muli %parallel_loop3A_91, %parallel_loop3A_116 : i32
        %parallel_loop3A_118 = arith.constant 2 : i32
        %parallel_loop3A_119 = arith.index_cast %parallel_loop3A_118 : i32 to index
        %parallel_loop3A_120 = arith.index_cast %parallel_loop3A_117 : i32 to index
        %parallel_loop3A_121 = tpu.vector_load %arg4[%parallel_loop3A_119, %parallel_loop3A_120] {strides = array<i32>} : memref<16x1152xf32, #tpu.memory_space<vmem>>, vector<16xf32>,
        %parallel_loop3A_122 = arith.constant 272 : i32
        %parallel_loop3A_123 = arith.muli %parallel_loop3A_91, %parallel_loop3A_122 : i32
        %parallel_loop3A_124 = arith.constant 2 : i32
        %parallel_loop3A_125 = arith.addi %parallel_loop3A_123, %parallel_loop3A_124 : i32
        %parallel_loop3A_126 = vector.broadcast %parallel_loop3A_125 : i32 to vector<16xi32>
        %parallel_loop3A_127 = arith.addi %mul3A_3, %parallel_loop3A_126 : vector<16xi32>
        tpu.vector_store_idx %arg5[%parallel_loop3A_127], %parallel_loop3A_121 : memref<19600xf32, #tpu.memory_space<vmem>>[vector<16xi32>], vector<16xf32>,
        %parallel_loop3A_128 = arith.constant 16 : i32
        %parallel_loop3A_129 = arith.muli %parallel_loop3A_91, %parallel_loop3A_128 : i32
        %parallel_loop3A_130 = arith.constant 3 : i32
        %parallel_loop3A_131 = arith.index_cast %parallel_loop3A_130 : i32 to index
        %parallel_loop3A_132 = arith.index_cast %parallel_loop3A_129 : i32 to index
        %parallel_loop3A_133 = tpu.vector_load %arg4[%parallel_loop3A_131, %parallel_loop3A_132] {strides = array<i32>} : memref<16x1152xf32, #tpu.memory_space<vmem>>, vector<16xf32>,
        %parallel_loop3A_134 = arith.constant 272 : i32
        %parallel_loop3A_135 = arith.muli %parallel_loop3A_91, %parallel_loop3A_134 : i32
        %parallel_loop3A_136 = arith.constant 3 : i32
        %parallel_loop3A_137 = arith.addi %parallel_loop3A_135, %parallel_loop3A_136 : i32
        %parallel_loop3A_138 = vector.broadcast %parallel_loop3A_137 : i32 to vector<16xi32>
        %parallel_loop3A_139 = arith.addi %mul3A_3, %parallel_loop3A_138 : vector<16xi32>
        tpu.vector_store_idx %arg5[%parallel_loop3A_139], %parallel_loop3A_133 : memref<19600xf32, #tpu.memory_space<vmem>>[vector<16xi32>], vector<16xf32>,
        %parallel_loop3A_140 = arith.constant 16 : i32
        %parallel_loop3A_141 = arith.muli %parallel_loop3A_91, %parallel_loop3A_140 : i32
        %parallel_loop3A_142 = arith.constant 4 : i32
        %parallel_loop3A_143 = arith.index_cast %parallel_loop3A_142 : i32 to index
        %parallel_loop3A_144 = arith.index_cast %parallel_loop3A_141 : i32 to index
        %parallel_loop3A_145 = tpu.vector_load %arg4[%parallel_loop3A_143, %parallel_loop3A_144] {strides = array<i32>} : memref<16x1152xf32, #tpu.memory_space<vmem>>, vector<16xf32>,
        %parallel_loop3A_146 = arith.constant 272 : i32
        %parallel_loop3A_147 = arith.muli %parallel_loop3A_91, %parallel_loop3A_146 : i32
        %parallel_loop3A_148 = arith.constant 4 : i32
        %parallel_loop3A_149 = arith.addi %parallel_loop3A_147, %parallel_loop3A_148 : i32
        %parallel_loop3A_150 = vector.broadcast %parallel_loop3A_149 : i32 to vector<16xi32>
        %parallel_loop3A_151 = arith.addi %mul3A_3, %parallel_loop3A_150 : vector<16xi32>
        tpu.vector_store_idx %arg5[%parallel_loop3A_151], %parallel_loop3A_145 : memref<19600xf32, #tpu.memory_space<vmem>>[vector<16xi32>], vector<16xf32>,
        %parallel_loop3A_152 = arith.constant 16 : i32
        %parallel_loop3A_153 = arith.muli %parallel_loop3A_91, %parallel_loop3A_152 : i32
        %parallel_loop3A_154 = arith.constant 5 : i32
        %parallel_loop3A_155 = arith.index_cast %parallel_loop3A_154 : i32 to index
        %parallel_loop3A_156 = arith.index_cast %parallel_loop3A_153 : i32 to index
        %parallel_loop3A_157 = tpu.vector_load %arg4[%parallel_loop3A_155, %parallel_loop3A_156] {strides = array<i32>} : memref<16x1152xf32, #tpu.memory_space<vmem>>, vector<16xf32>,
        %parallel_loop3A_158 = arith.constant 272 : i32
        %parallel_loop3A_159 = arith.muli %parallel_loop3A_91, %parallel_loop3A_158 : i32
        %parallel_loop3A_160 = arith.constant 5 : i32
        %parallel_loop3A_161 = arith.addi %parallel_loop3A_159, %parallel_loop3A_160 : i32
        %parallel_loop3A_162 = vector.broadcast %parallel_loop3A_161 : i32 to vector<16xi32>
        %parallel_loop3A_163 = arith.addi %mul3A_3, %parallel_loop3A_162 : vector<16xi32>
        tpu.vector_store_idx %arg5[%parallel_loop3A_163], %parallel_loop3A_157 : memref<19600xf32, #tpu.memory_space<vmem>>[vector<16xi32>], vector<16xf32>,
        %parallel_loop3A_164 = arith.constant 16 : i32
        %parallel_loop3A_165 = arith.muli %parallel_loop3A_91, %parallel_loop3A_164 : i32
        %parallel_loop3A_166 = arith.constant 6 : i32
        %parallel_loop3A_167 = arith.index_cast %parallel_loop3A_166 : i32 to index
        %parallel_loop3A_168 = arith.index_cast %parallel_loop3A_165 : i32 to index
        %parallel_loop3A_169 = tpu.vector_load %arg4[%parallel_loop3A_167, %parallel_loop3A_168] {strides = array<i32>} : memref<16x1152xf32, #tpu.memory_space<vmem>>, vector<16xf32>,
        %parallel_loop3A_170 = arith.constant 272 : i32
        %parallel_loop3A_171 = arith.muli %parallel_loop3A_91, %parallel_loop3A_170 : i32
        %parallel_loop3A_172 = arith.constant 6 : i32
        %parallel_loop3A_173 = arith.addi %parallel_loop3A_171, %parallel_loop3A_172 : i32
        %parallel_loop3A_174 = vector.broadcast %parallel_loop3A_173 : i32 to vector<16xi32>
        %parallel_loop3A_175 = arith.addi %mul3A_3, %parallel_loop3A_174 : vector<16xi32>
        tpu.vector_store_idx %arg5[%parallel_loop3A_175], %parallel_loop3A_169 : memref<19600xf32, #tpu.memory_space<vmem>>[vector<16xi32>], vector<16xf32>,
        %parallel_loop3A_176 = arith.constant 16 : i32
        %parallel_loop3A_177 = arith.muli %parallel_loop3A_91, %parallel_loop3A_176 : i32
        %parallel_loop3A_178 = arith.constant 7 : i32
        %parallel_loop3A_179 = arith.index_cast %parallel_loop3A_178 : i32 to index
        %parallel_loop3A_180 = arith.index_cast %parallel_loop3A_177 : i32 to index
        %parallel_loop3A_181 = tpu.vector_load %arg4[%parallel_loop3A_179, %parallel_loop3A_180] {strides = array<i32>} : memref<16x1152xf32, #tpu.memory_space<vmem>>, vector<16xf32>,
        %parallel_loop3A_182 = arith.constant 272 : i32
        %parallel_loop3A_183 = arith.muli %parallel_loop3A_91, %parallel_loop3A_182 : i32
        %parallel_loop3A_184 = arith.constant 7 : i32
        %parallel_loop3A_185 = arith.addi %parallel_loop3A_183, %parallel_loop3A_184 : i32
        %parallel_loop3A_186 = vector.broadcast %parallel_loop3A_185 : i32 to vector<16xi32>
        %parallel_loop3A_187 = arith.addi %mul3A_3, %parallel_loop3A_186 : vector<16xi32>
        tpu.vector_store_idx %arg5[%parallel_loop3A_187], %parallel_loop3A_181 : memref<19600xf32, #tpu.memory_space<vmem>>[vector<16xi32>], vector<16xf32>,
        %parallel_loop3A_188 = arith.constant 16 : i32
        %parallel_loop3A_189 = arith.muli %parallel_loop3A_91, %parallel_loop3A_188 : i32
        %parallel_loop3A_190 = arith.constant 8 : i32
        %parallel_loop3A_191 = arith.index_cast %parallel_loop3A_190 : i32 to index
        %parallel_loop3A_192 = arith.index_cast %parallel_loop3A_189 : i32 to index
        %parallel_loop3A_193 = tpu.vector_load %arg4[%parallel_loop3A_191, %parallel_loop3A_192] {strides = array<i32>} : memref<16x1152xf32, #tpu.memory_space<vmem>>, vector<16xf32>,
        %parallel_loop3A_194 = arith.constant 272 : i32
        %parallel_loop3A_195 = arith.muli %parallel_loop3A_91, %parallel_loop3A_194 : i32
        %parallel_loop3A_196 = arith.constant 8 : i32
        %parallel_loop3A_197 = arith.addi %parallel_loop3A_195, %parallel_loop3A_196 : i32
        %parallel_loop3A_198 = vector.broadcast %parallel_loop3A_197 : i32 to vector<16xi32>
        %parallel_loop3A_199 = arith.addi %mul3A_3, %parallel_loop3A_198 : vector<16xi32>
        tpu.vector_store_idx %arg5[%parallel_loop3A_199], %parallel_loop3A_193 : memref<19600xf32, #tpu.memory_space<vmem>>[vector<16xi32>], vector<16xf32>,
        %parallel_loop3A_200 = arith.constant 16 : i32
        %parallel_loop3A_201 = arith.muli %parallel_loop3A_91, %parallel_loop3A_200 : i32
        %parallel_loop3A_202 = arith.constant 9 : i32
        %parallel_loop3A_203 = arith.index_cast %parallel_loop3A_202 : i32 to index
        %parallel_loop3A_204 = arith.index_cast %parallel_loop3A_201 : i32 to index
        %parallel_loop3A_205 = tpu.vector_load %arg4[%parallel_loop3A_203, %parallel_loop3A_204] {strides = array<i32>} : memref<16x1152xf32, #tpu.memory_space<vmem>>, vector<16xf32>,
        %parallel_loop3A_206 = arith.constant 272 : i32
        %parallel_loop3A_207 = arith.muli %parallel_loop3A_91, %parallel_loop3A_206 : i32
        %parallel_loop3A_208 = arith.constant 9 : i32
        %parallel_loop3A_209 = arith.addi %parallel_loop3A_207, %parallel_loop3A_208 : i32
        %parallel_loop3A_210 = vector.broadcast %parallel_loop3A_209 : i32 to vector<16xi32>
        %parallel_loop3A_211 = arith.addi %mul3A_3, %parallel_loop3A_210 : vector<16xi32>
        tpu.vector_store_idx %arg5[%parallel_loop3A_211], %parallel_loop3A_205 : memref<19600xf32, #tpu.memory_space<vmem>>[vector<16xi32>], vector<16xf32>,
        %parallel_loop3A_212 = arith.constant 16 : i32
        %parallel_loop3A_213 = arith.muli %parallel_loop3A_91, %parallel_loop3A_212 : i32
        %parallel_loop3A_214 = arith.constant 10 : i32
        %parallel_loop3A_215 = arith.index_cast %parallel_loop3A_214 : i32 to index
        %parallel_loop3A_216 = arith.index_cast %parallel_loop3A_213 : i32 to index
        %parallel_loop3A_217 = tpu.vector_load %arg4[%parallel_loop3A_215, %parallel_loop3A_216] {strides = array<i32>} : memref<16x1152xf32, #tpu.memory_space<vmem>>, vector<16xf32>,
        %parallel_loop3A_218 = arith.constant 272 : i32
        %parallel_loop3A_219 = arith.muli %parallel_loop3A_91, %parallel_loop3A_218 : i32
        %parallel_loop3A_220 = arith.constant 10 : i32
        %parallel_loop3A_221 = arith.addi %parallel_loop3A_219, %parallel_loop3A_220 : i32
        %parallel_loop3A_222 = vector.broadcast %parallel_loop3A_221 : i32 to vector<16xi32>
        %parallel_loop3A_223 = arith.addi %mul3A_3, %parallel_loop3A_222 : vector<16xi32>
        tpu.vector_store_idx %arg5[%parallel_loop3A_223], %parallel_loop3A_217 : memref<19600xf32, #tpu.memory_space<vmem>>[vector<16xi32>], vector<16xf32>,
        %parallel_loop3A_224 = arith.constant 16 : i32
        %parallel_loop3A_225 = arith.muli %parallel_loop3A_91, %parallel_loop3A_224 : i32
        %parallel_loop3A_226 = arith.constant 11 : i32
        %parallel_loop3A_227 = arith.index_cast %parallel_loop3A_226 : i32 to index
        %parallel_loop3A_228 = arith.index_cast %parallel_loop3A_225 : i32 to index
        %parallel_loop3A_229 = tpu.vector_load %arg4[%parallel_loop3A_227, %parallel_loop3A_228] {strides = array<i32>} : memref<16x1152xf32, #tpu.memory_space<vmem>>, vector<16xf32>,
        %parallel_loop3A_230 = arith.constant 272 : i32
        %parallel_loop3A_231 = arith.muli %parallel_loop3A_91, %parallel_loop3A_230 : i32
        %parallel_loop3A_232 = arith.constant 11 : i32
        %parallel_loop3A_233 = arith.addi %parallel_loop3A_231, %parallel_loop3A_232 : i32
        %parallel_loop3A_234 = vector.broadcast %parallel_loop3A_233 : i32 to vector<16xi32>
        %parallel_loop3A_235 = arith.addi %mul3A_3, %parallel_loop3A_234 : vector<16xi32>
        tpu.vector_store_idx %arg5[%parallel_loop3A_235], %parallel_loop3A_229 : memref<19600xf32, #tpu.memory_space<vmem>>[vector<16xi32>], vector<16xf32>,
        %parallel_loop3A_236 = arith.constant 16 : i32
        %parallel_loop3A_237 = arith.muli %parallel_loop3A_91, %parallel_loop3A_236 : i32
        %parallel_loop3A_238 = arith.constant 12 : i32
        %parallel_loop3A_239 = arith.index_cast %parallel_loop3A_238 : i32 to index
        %parallel_loop3A_240 = arith.index_cast %parallel_loop3A_237 : i32 to index
        %parallel_loop3A_241 = tpu.vector_load %arg4[%parallel_loop3A_239, %parallel_loop3A_240] {strides = array<i32>} : memref<16x1152xf32, #tpu.memory_space<vmem>>, vector<16xf32>,
        %parallel_loop3A_242 = arith.constant 272 : i32
        %parallel_loop3A_243 = arith.muli %parallel_loop3A_91, %parallel_loop3A_242 : i32
        %parallel_loop3A_244 = arith.constant 12 : i32
        %parallel_loop3A_245 = arith.addi %parallel_loop3A_243, %parallel_loop3A_244 : i32
        %parallel_loop3A_246 = vector.broadcast %parallel_loop3A_245 : i32 to vector<16xi32>
        %parallel_loop3A_247 = arith.addi %mul3A_3, %parallel_loop3A_246 : vector<16xi32>
        tpu.vector_store_idx %arg5[%parallel_loop3A_247], %parallel_loop3A_241 : memref<19600xf32, #tpu.memory_space<vmem>>[vector<16xi32>], vector<16xf32>,
        %parallel_loop3A_248 = arith.constant 16 : i32
        %parallel_loop3A_249 = arith.muli %parallel_loop3A_91, %parallel_loop3A_248 : i32
        %parallel_loop3A_250 = arith.constant 13 : i32
        %parallel_loop3A_251 = arith.index_cast %parallel_loop3A_250 : i32 to index
        %parallel_loop3A_252 = arith.index_cast %parallel_loop3A_249 : i32 to index
        %parallel_loop3A_253 = tpu.vector_load %arg4[%parallel_loop3A_251, %parallel_loop3A_252] {strides = array<i32>} : memref<16x1152xf32, #tpu.memory_space<vmem>>, vector<16xf32>,
        %parallel_loop3A_254 = arith.constant 272 : i32
        %parallel_loop3A_255 = arith.muli %parallel_loop3A_91, %parallel_loop3A_254 : i32
        %parallel_loop3A_256 = arith.constant 13 : i32
        %parallel_loop3A_257 = arith.addi %parallel_loop3A_255, %parallel_loop3A_256 : i32
        %parallel_loop3A_258 = vector.broadcast %parallel_loop3A_257 : i32 to vector<16xi32>
        %parallel_loop3A_259 = arith.addi %mul3A_3, %parallel_loop3A_258 : vector<16xi32>
        tpu.vector_store_idx %arg5[%parallel_loop3A_259], %parallel_loop3A_253 : memref<19600xf32, #tpu.memory_space<vmem>>[vector<16xi32>], vector<16xf32>,
        %parallel_loop3A_260 = arith.constant 16 : i32
        %parallel_loop3A_261 = arith.muli %parallel_loop3A_91, %parallel_loop3A_260 : i32
        %parallel_loop3A_262 = arith.constant 14 : i32
        %parallel_loop3A_263 = arith.index_cast %parallel_loop3A_262 : i32 to index
        %parallel_loop3A_264 = arith.index_cast %parallel_loop3A_261 : i32 to index
        %parallel_loop3A_265 = tpu.vector_load %arg4[%parallel_loop3A_263, %parallel_loop3A_264] {strides = array<i32>} : memref<16x1152xf32, #tpu.memory_space<vmem>>, vector<16xf32>,
        %parallel_loop3A_266 = arith.constant 272 : i32
        %parallel_loop3A_267 = arith.muli %parallel_loop3A_91, %parallel_loop3A_266 : i32
        %parallel_loop3A_268 = arith.constant 14 : i32
        %parallel_loop3A_269 = arith.addi %parallel_loop3A_267, %parallel_loop3A_268 : i32
        %parallel_loop3A_270 = vector.broadcast %parallel_loop3A_269 : i32 to vector<16xi32>
        %parallel_loop3A_271 = arith.addi %mul3A_3, %parallel_loop3A_270 : vector<16xi32>
        tpu.vector_store_idx %arg5[%parallel_loop3A_271], %parallel_loop3A_265 : memref<19600xf32, #tpu.memory_space<vmem>>[vector<16xi32>], vector<16xf32>,
        %parallel_loop3A_272 = arith.constant 16 : i32
        %parallel_loop3A_273 = arith.muli %parallel_loop3A_91, %parallel_loop3A_272 : i32
        %parallel_loop3A_274 = arith.constant 15 : i32
        %parallel_loop3A_275 = arith.index_cast %parallel_loop3A_274 : i32 to index
        %parallel_loop3A_276 = arith.index_cast %parallel_loop3A_273 : i32 to index
        %parallel_loop3A_277 = tpu.vector_load %arg4[%parallel_loop3A_275, %parallel_loop3A_276] {strides = array<i32>} : memref<16x1152xf32, #tpu.memory_space<vmem>>, vector<16xf32>,
        %parallel_loop3A_278 = arith.constant 272 : i32
        %parallel_loop3A_279 = arith.muli %parallel_loop3A_91, %parallel_loop3A_278 : i32
        %parallel_loop3A_280 = arith.constant 15 : i32
        %parallel_loop3A_281 = arith.addi %parallel_loop3A_279, %parallel_loop3A_280 : i32
        %parallel_loop3A_282 = vector.broadcast %parallel_loop3A_281 : i32 to vector<16xi32>
        %parallel_loop3A_283 = arith.addi %mul3A_3, %parallel_loop3A_282 : vector<16xi32>
        tpu.vector_store_idx %arg5[%parallel_loop3A_283], %parallel_loop3A_277 : memref<19600xf32, #tpu.memory_space<vmem>>[vector<16xi32>], vector<16xf32>,
      } {sc.loop_unroll_factor = 2 : i64, sc.parallel_access}
      %parallel_loop3A_50 = arith.constant 0 : i32
      %parallel_loop3A_51 = arith.constant 1 : i32
      scf.for %parallel_loop3A_91 = %parallel_loop3A_50 to %select_n3A_42 step %parallel_loop3A_51  : i32 {
        %parallel_loop3A_92 = arith.constant 17 : i32
        %parallel_loop3A_93 = arith.muli %parallel_loop3A_91, %parallel_loop3A_92 : i32
        %parallel_loop3A_94 = vector.broadcast %parallel_loop3A_93 : i32 to vector<16xi32>
        %parallel_loop3A_95 = arith.addi %iota3A, %parallel_loop3A_94 : vector<16xi32>
        %parallel_loop3A_96 = tpu.vector_load_idx %arg5[%parallel_loop3A_95] : memref<19600xf32, #tpu.memory_space<vmem>>[vector<16xi32>], vector<16xf32>,
        %parallel_loop3A_97 = arith.constant 16 : i32
        %parallel_loop3A_98 = arith.muli %parallel_loop3A_91, %parallel_loop3A_97 : i32
        %parallel_loop3A_99 = arith.index_cast %parallel_loop3A_98 : i32 to index
        %parallel_loop3A_100 = tpu.vector_load %arg6[%parallel_loop3A_99] {strides = array<i32>} : memref<18432xf32, #tpu.memory_space<vmem>>, vector<16xf32>,
        tpu.vector_store %arg6[%parallel_loop3A_99], %parallel_loop3A_96 {strides = array<i32>} : memref<18432xf32, #tpu.memory_space<vmem>>, vector<16xf32>,
      } {sc.loop_unroll_factor = 16 : i64, sc.parallel_access}
      %mul3A_52 = arith.constant 12504 : i32
      %mul3A_53 = arith.muli %select_n3A, %mul3A_52 : i32
      %jit3A_54 = arith.constant 8 : i32
      %div3A_55 = arith.divsi %multiple_of3A, %jit3A_54 : i32
      %sign3A_56 = arith.constant 0 : i32
      %sign3A_57 = arith.cmpi sgt, %multiple_of3A, %sign3A_56 : i32
      %sign3A_58 = arith.extui %sign3A_57 : i1 to i32
      %sign3A_59 = arith.constant 0 : i32
      %sign3A_60 = arith.cmpi slt, %multiple_of3A, %sign3A_59 : i32
      %sign3A_61 = arith.extui %sign3A_60 : i1 to i32
      %sign3A_62 = arith.subi %sign3A_58, %sign3A_61 : i32
      %sign3A_63 = arith.constant 0 : i32
      %sign3A_64 = arith.cmpi sgt, %jit3A_54, %sign3A_63 : i32
      %sign3A_65 = arith.extui %sign3A_64 : i1 to i32
      %sign3A_66 = arith.constant 0 : i32
      %sign3A_67 = arith.cmpi slt, %jit3A_54, %sign3A_66 : i32
      %sign3A_68 = arith.extui %sign3A_67 : i1 to i32
      %sign3A_69 = arith.subi %sign3A_65, %sign3A_68 : i32
      %ne3A_70 = arith.cmpi ne, %sign3A_62, %sign3A_69 : i32
      %rem3A_71 = arith.remsi %multiple_of3A, %jit3A_54 : i32
      %ne3A_72 = arith.constant 0 : i32
      %ne3A_73 = arith.cmpi ne, %rem3A_71, %ne3A_72 : i32
      %and3A_74 = arith.andi %ne3A_70, %ne3A_73 : i1
      %sub3A_75 = arith.constant 1 : i32
      %sub3A_76 = arith.subi %div3A_55, %sub3A_75 : i32
      %select_n3A_77 = arith.select %and3A_74, %sub3A_76, %div3A_55 : i32
      %add3A_78 = arith.addi %mul3A_53, %select_n3A_77 : i32
      %mul3A_79 = arith.constant 128 : i32
      %mul3A_80 = arith.muli %add3A_78, %mul3A_79 : i32
      %multiple_of3A_81 = tpu.assume_multiple %mul3A_80, 1024 : i32
      %convert_element_type3A_82 = arith.extui %eq3A_35 : i1 to i32
      %cond3A_83 = arith.constant 0 : i32
      %cond3A_84 = arith.cmpi ne, %convert_element_type3A_82, %cond3A_83 : i32
      scf.if %cond3A_84 {
        "tpu.region"() ({
          %run_scoped3A = tpu.sem_alloc : memref<!tpu.dma_semaphore, #tpu.memory_space<semaphore_mem>>
          %dma_start3A = arith.constant 0 : i32
          %dma_start3A_91 = tpu.memref_slice %arg6[%dma_start3A] : memref<18432xf32, #tpu.memory_space<vmem>> -> memref<17408xf32, #tpu.memory_space<vmem>>
          %dma_start3A_92 = tpu.memref_slice %arg3[%multiple_of3A_81] : memref<41613312xf32, #tpu.memory_space<hbm>> -> memref<17408xf32, #tpu.memory_space<hbm>>
          %dma_start3A_93 = tpu.memref_slice %arg3[%multiple_of3A_81] : memref<41613312xf32, #tpu.memory_space<hbm>> -> memref<17408xf32, #tpu.memory_space<hbm>>
          %dma_start3A_94 = arith.constant 0 : i32
          %dma_start3A_95 = tpu.memref_slice %arg6[%dma_start3A_94] : memref<18432xf32, #tpu.memory_space<vmem>> -> memref<17408xf32, #tpu.memory_space<vmem>>
          tpu.enqueue_dma source(%dma_start3A_95 : memref<17408xf32, #tpu.memory_space<vmem>>) target(%dma_start3A_93 : memref<17408xf32, #tpu.memory_space<hbm>>) target_semaphore(%run_scoped3A : memref<!tpu.dma_semaphore, #tpu.memory_space<semaphore_mem>>)
          %dma_wait3A = arith.constant 0 : i32
          %dma_wait3A_96 = tpu.memref_slice %arg6[%dma_wait3A] : memref<18432xf32, #tpu.memory_space<vmem>> -> memref<17408xf32, #tpu.memory_space<vmem>>
          %dma_wait3A_97 = tpu.memref_slice %arg3[%multiple_of3A_81] : memref<41613312xf32, #tpu.memory_space<hbm>> -> memref<17408xf32, #tpu.memory_space<hbm>>
          %dma_wait3A_98 = tpu.memref_slice %arg3[%multiple_of3A_81] : memref<41613312xf32, #tpu.memory_space<hbm>> -> memref<17408xf32, #tpu.memory_space<hbm>>
          %dma_wait3A_99 = arith.constant 0 : i32
          %dma_wait3A_100 = tpu.memref_slice %arg6[%dma_wait3A_99] : memref<18432xf32, #tpu.memory_space<vmem>> -> memref<17408xf32, #tpu.memory_space<vmem>>
          tpu.wait_dma2 semaphore(%run_scoped3A : memref<!tpu.dma_semaphore, #tpu.memory_space<semaphore_mem>>) src(%dma_wait3A_100 : memref<17408xf32, #tpu.memory_space<vmem>>) dst(%dma_wait3A_98 : memref<17408xf32, #tpu.memory_space<hbm>>)
          tpu.yield
        }) : () -> ()
      } else {
      }
      %not3A_85 = arith.constant true
      %not3A_86 = arith.xori %eq3A_35, %not3A_85 : i1
      %convert_element_type3A_87 = arith.extui %not3A_86 : i1 to i32
      %cond3A_88 = arith.constant 0 : i32
      %cond3A_89 = arith.cmpi ne, %convert_element_type3A_87, %cond3A_88 : i32
      scf.if %cond3A_89 {
        "tpu.region"() ({
          %run_scoped3A = tpu.sem_alloc : memref<!tpu.dma_semaphore, #tpu.memory_space<semaphore_mem>>
          %dma_start3A = arith.constant 0 : i32
          %dma_start3A_91 = tpu.memref_slice %arg6[%dma_start3A] : memref<18432xf32, #tpu.memory_space<vmem>> -> memref<16384xf32, #tpu.memory_space<vmem>>
          %dma_start3A_92 = tpu.memref_slice %arg3[%multiple_of3A_81] : memref<41613312xf32, #tpu.memory_space<hbm>> -> memref<16384xf32, #tpu.memory_space<hbm>>
          %dma_start3A_93 = tpu.memref_slice %arg3[%multiple_of3A_81] : memref<41613312xf32, #tpu.memory_space<hbm>> -> memref<16384xf32, #tpu.memory_space<hbm>>
          %dma_start3A_94 = arith.constant 0 : i32
          %dma_start3A_95 = tpu.memref_slice %arg6[%dma_start3A_94] : memref<18432xf32, #tpu.memory_space<vmem>> -> memref<16384xf32, #tpu.memory_space<vmem>>
          tpu.enqueue_dma source(%dma_start3A_95 : memref<16384xf32, #tpu.memory_space<vmem>>) target(%dma_start3A_93 : memref<16384xf32, #tpu.memory_space<hbm>>) target_semaphore(%run_scoped3A : memref<!tpu.dma_semaphore, #tpu.memory_space<semaphore_mem>>)
          %dma_wait3A = arith.constant 0 : i32
          %dma_wait3A_96 = tpu.memref_slice %arg6[%dma_wait3A] : memref<18432xf32, #tpu.memory_space<vmem>> -> memref<16384xf32, #tpu.memory_space<vmem>>
          %dma_wait3A_97 = tpu.memref_slice %arg3[%multiple_of3A_81] : memref<41613312xf32, #tpu.memory_space<hbm>> -> memref<16384xf32, #tpu.memory_space<hbm>>
          %dma_wait3A_98 = tpu.memref_slice %arg3[%multiple_of3A_81] : memref<41613312xf32, #tpu.memory_space<hbm>> -> memref<16384xf32, #tpu.memory_space<hbm>>
          %dma_wait3A_99 = arith.constant 0 : i32
          %dma_wait3A_100 = tpu.memref_slice %arg6[%dma_wait3A_99] : memref<18432xf32, #tpu.memory_space<vmem>> -> memref<16384xf32, #tpu.memory_space<vmem>>
          tpu.wait_dma2 semaphore(%run_scoped3A : memref<!tpu.dma_semaphore, #tpu.memory_space<semaphore_mem>>) src(%dma_wait3A_100 : memref<16384xf32, #tpu.memory_space<vmem>>) dst(%dma_wait3A_98 : memref<16384xf32, #tpu.memory_space<hbm>>)
          tpu.yield
        }) : () -> ()
      } else {
      }
      %scan3A_90 = arith.constant 0 : i32
      scf.yield %scan3A_90 : i32
    }
    %scan3A_9 = arith.constant 80 : i32
    return
  }
}

#map = affine_map<(d0, d1) -> (0, 0)>
#map1 = affine_map<(d0, d1) -> (0, 0, 0)>
#map2 = affine_map<(d0, d1) -> (0)>
module attributes {stable_mosaic.version = 14 : i64} {
  func.func @sc_kernel(%arg0: i32, %arg1: i32, %arg2: memref<2600832x16xf32, #tpu.memory_space<hbm>>, %arg3: memref<26x128x128xi32, #tpu.memory_space<hbm>>, %arg4: memref<26x16xf32, #tpu.memory_space<hbm>>, %arg5: memref<16xf32, #tpu.memory_space<hbm>>, %arg6: memref<16384x16xf32, #tpu.memory_space<hbm>>, %arg7: memref<4x128xi32, #tpu.memory_space<vmem>>, %arg8: memref<512x16xf32, #tpu.memory_space<vmem>>, %arg9: memref<512x16xf32, #tpu.memory_space<vmem>>, %arg10: memref<16xf32, #tpu.memory_space<vmem>>, %arg11: memref<16xf32, #tpu.memory_space<vmem>>, %arg12: memref<!tpu.dma_semaphore, #tpu.memory_space<semaphore_mem>>) attributes {dimension_semantics = [#tpu.dimension_semantics<core_parallel>, #tpu.dimension_semantics<subcore_parallel>], iteration_bounds = array<i64: 2, 16>, scalar_prefetch = 0 : i64, scratch_operands = 6 : i64, tpu.core_type = #tpu.core_type<sc_vector_subcore>, window_params = [{transform_indices = #map}, {transform_indices = #map1}, {transform_indices = #map}, {transform_indices = #map2}, {transform_indices = #map}]} {
    %mul3A = arith.constant 2 : i32
    %mul3A_0 = arith.muli %arg1, %mul3A : i32
    %add3A = arith.addi %mul3A_0, %arg0 : i32
    %mul3A_1 = arith.constant 512 : i32
    %mul3A_2 = arith.muli %add3A, %mul3A_1 : i32
    %scan3A = arith.constant 0 : i32
    %scan3A_3 = arith.constant 0 : i32
    %scan3A_4 = arith.constant 512 : i32
    %scan3A_5 = arith.addi %scan3A_3, %scan3A_4 : i32
    %scan3A_6 = arith.constant 1 : i32
    %scan3A_7 = scf.for %scan3A_25 = %scan3A_3 to %scan3A_5 step %scan3A_6 iter_args(%scan3A_26 = %scan3A) -> (i32)  : i32 {
      %broadcast_in_dim3A = arith.constant 0.000000e+00 : f32
      %broadcast_in_dim3A_27 = vector.broadcast %broadcast_in_dim3A : f32 to vector<16xf32>
      %swap3A = arith.index_cast %scan3A_25 : i32 to index
      %swap3A_28 = arith.constant 0 : index
      %swap3A_29 = tpu.vector_load %arg9[%swap3A, %swap3A_28] {strides = array<i32>} : memref<512x16xf32, #tpu.memory_space<vmem>>, vector<1x16xf32>,
      %swap3A_30 = vector.shape_cast %swap3A_29 : vector<1x16xf32> to vector<16xf32>
      %swap3A_31 = vector.shape_cast %broadcast_in_dim3A_27 : vector<16xf32> to vector<1x16xf32>
      tpu.vector_store %arg9[%swap3A, %swap3A_28], %swap3A_31 {strides = array<i32>} : memref<512x16xf32, #tpu.memory_space<vmem>>, vector<1x16xf32>,
      %scan3A_32 = arith.constant 0 : i32
      scf.yield %scan3A_32 : i32
    }
    %scan3A_8 = arith.constant 512 : i32
    %scan3A_9 = arith.constant 0 : i32
    %scan3A_10 = arith.constant 0 : i32
    %scan3A_11 = arith.constant 26 : i32
    %scan3A_12 = arith.addi %scan3A_10, %scan3A_11 : i32
    %scan3A_13 = arith.constant 1 : i32
    %scan3A_14 = scf.for %scan3A_25 = %scan3A_10 to %scan3A_12 step %scan3A_13 iter_args(%scan3A_26 = %scan3A_9) -> (i32)  : i32 {
      %mul3A_27 = arith.constant 4 : i32
      %mul3A_28 = arith.muli %add3A, %mul3A_27 : i32
      "tpu.region"() ({
        %run_scoped3A = tpu.sem_alloc : memref<!tpu.dma_semaphore, #tpu.memory_space<semaphore_mem>>
        %dma_start3A_118 = arith.constant 0 : i32
        %dma_start3A_119 = tpu.memref_slice %arg3[%scan3A_25, %mul3A_28, %dma_start3A_118] : memref<26x128x128xi32, #tpu.memory_space<hbm>> -> memref<1x4x128xi32, #tpu.memory_space<hbm>>
        %dma_start3A_120 = tpu.memref_squeeze %dma_start3A_119 : memref<1x4x128xi32, #tpu.memory_space<hbm>> -> memref<4x128xi32, #tpu.memory_space<hbm>>
        %dma_start3A_121 = arith.constant 0 : i32
        %dma_start3A_122 = tpu.memref_slice %arg3[%scan3A_25, %mul3A_28, %dma_start3A_121] : memref<26x128x128xi32, #tpu.memory_space<hbm>> -> memref<1x4x128xi32, #tpu.memory_space<hbm>>
        %dma_start3A_123 = tpu.memref_squeeze %dma_start3A_122 : memref<1x4x128xi32, #tpu.memory_space<hbm>> -> memref<4x128xi32, #tpu.memory_space<hbm>>
        tpu.enqueue_dma source(%dma_start3A_123 : memref<4x128xi32, #tpu.memory_space<hbm>>) target(%arg7 : memref<4x128xi32, #tpu.memory_space<vmem>>) target_semaphore(%run_scoped3A : memref<!tpu.dma_semaphore, #tpu.memory_space<semaphore_mem>>)
        %dma_wait3A_124 = arith.constant 0 : i32
        %dma_wait3A_125 = tpu.memref_slice %arg3[%scan3A_25, %mul3A_28, %dma_wait3A_124] : memref<26x128x128xi32, #tpu.memory_space<hbm>> -> memref<1x4x128xi32, #tpu.memory_space<hbm>>
        %dma_wait3A_126 = tpu.memref_squeeze %dma_wait3A_125 : memref<1x4x128xi32, #tpu.memory_space<hbm>> -> memref<4x128xi32, #tpu.memory_space<hbm>>
        %dma_wait3A_127 = arith.constant 0 : i32
        %dma_wait3A_128 = tpu.memref_slice %arg3[%scan3A_25, %mul3A_28, %dma_wait3A_127] : memref<26x128x128xi32, #tpu.memory_space<hbm>> -> memref<1x4x128xi32, #tpu.memory_space<hbm>>
        %dma_wait3A_129 = tpu.memref_squeeze %dma_wait3A_128 : memref<1x4x128xi32, #tpu.memory_space<hbm>> -> memref<4x128xi32, #tpu.memory_space<hbm>>
        tpu.wait_dma2 semaphore(%run_scoped3A : memref<!tpu.dma_semaphore, #tpu.memory_space<semaphore_mem>>) src(%dma_wait3A_129 : memref<4x128xi32, #tpu.memory_space<hbm>>) dst(%arg7 : memref<4x128xi32, #tpu.memory_space<vmem>>)
        tpu.yield
      }) : () -> ()
      %dma_start3A = arith.constant 0 : i32
      %dma_start3A_29 = arith.constant 0 : i32
      %dma_start3A_30 = arith.constant 0 : i32
      %dma_start3A_31 = tpu.memref_slice %arg8[%dma_start3A_29, %dma_start3A_30] : memref<512x16xf32, #tpu.memory_space<vmem>> -> memref<128x16xf32, #tpu.memory_space<vmem>>
      %dma_start3A_32 = arith.constant 0 : i32
      %dma_start3A_33 = tpu.memref_slice %arg7[%dma_start3A, %dma_start3A_32] : memref<4x128xi32, #tpu.memory_space<vmem>> -> memref<1x128xi32, #tpu.memory_space<vmem>>
      %dma_start3A_34 = tpu.memref_squeeze %dma_start3A_33 : memref<1x128xi32, #tpu.memory_space<vmem>> -> memref<128xi32, #tpu.memory_space<vmem>>
      %dma_start3A_35 = arith.constant 0 : i32
      %dma_start3A_36 = arith.constant 0 : i32
      %dma_start3A_37 = tpu.memref_slice %arg2[%dma_start3A_35, %dma_start3A_36] : memref<2600832x16xf32, #tpu.memory_space<hbm>> -> memref<2600832x16xf32, #tpu.memory_space<hbm>>
      tpu.enqueue_indirect_dma source(%dma_start3A_37 : memref<2600832x16xf32, #tpu.memory_space<hbm>>) target(%dma_start3A_31 : memref<128x16xf32, #tpu.memory_space<vmem>>) offsets(%dma_start3A_34 : memref<128xi32, #tpu.memory_space<vmem>>) semaphore(%arg12 : memref<!tpu.dma_semaphore, #tpu.memory_space<semaphore_mem>>)
      %dma_start3A_38 = arith.constant 1 : i32
      %dma_start3A_39 = arith.constant 128 : i32
      %dma_start3A_40 = arith.constant 0 : i32
      %dma_start3A_41 = tpu.memref_slice %arg8[%dma_start3A_39, %dma_start3A_40] : memref<512x16xf32, #tpu.memory_space<vmem>> -> memref<128x16xf32, #tpu.memory_space<vmem>>
      %dma_start3A_42 = arith.constant 0 : i32
      %dma_start3A_43 = tpu.memref_slice %arg7[%dma_start3A_38, %dma_start3A_42] : memref<4x128xi32, #tpu.memory_space<vmem>> -> memref<1x128xi32, #tpu.memory_space<vmem>>
      %dma_start3A_44 = tpu.memref_squeeze %dma_start3A_43 : memref<1x128xi32, #tpu.memory_space<vmem>> -> memref<128xi32, #tpu.memory_space<vmem>>
      %dma_start3A_45 = arith.constant 0 : i32
      %dma_start3A_46 = arith.constant 0 : i32
      %dma_start3A_47 = tpu.memref_slice %arg2[%dma_start3A_45, %dma_start3A_46] : memref<2600832x16xf32, #tpu.memory_space<hbm>> -> memref<2600832x16xf32, #tpu.memory_space<hbm>>
      tpu.enqueue_indirect_dma source(%dma_start3A_47 : memref<2600832x16xf32, #tpu.memory_space<hbm>>) target(%dma_start3A_41 : memref<128x16xf32, #tpu.memory_space<vmem>>) offsets(%dma_start3A_44 : memref<128xi32, #tpu.memory_space<vmem>>) semaphore(%arg12 : memref<!tpu.dma_semaphore, #tpu.memory_space<semaphore_mem>>)
      %dma_start3A_48 = arith.constant 2 : i32
      %dma_start3A_49 = arith.constant 256 : i32
      %dma_start3A_50 = arith.constant 0 : i32
      %dma_start3A_51 = tpu.memref_slice %arg8[%dma_start3A_49, %dma_start3A_50] : memref<512x16xf32, #tpu.memory_space<vmem>> -> memref<128x16xf32, #tpu.memory_space<vmem>>
      %dma_start3A_52 = arith.constant 0 : i32
      %dma_start3A_53 = tpu.memref_slice %arg7[%dma_start3A_48, %dma_start3A_52] : memref<4x128xi32, #tpu.memory_space<vmem>> -> memref<1x128xi32, #tpu.memory_space<vmem>>
      %dma_start3A_54 = tpu.memref_squeeze %dma_start3A_53 : memref<1x128xi32, #tpu.memory_space<vmem>> -> memref<128xi32, #tpu.memory_space<vmem>>
      %dma_start3A_55 = arith.constant 0 : i32
      %dma_start3A_56 = arith.constant 0 : i32
      %dma_start3A_57 = tpu.memref_slice %arg2[%dma_start3A_55, %dma_start3A_56] : memref<2600832x16xf32, #tpu.memory_space<hbm>> -> memref<2600832x16xf32, #tpu.memory_space<hbm>>
      tpu.enqueue_indirect_dma source(%dma_start3A_57 : memref<2600832x16xf32, #tpu.memory_space<hbm>>) target(%dma_start3A_51 : memref<128x16xf32, #tpu.memory_space<vmem>>) offsets(%dma_start3A_54 : memref<128xi32, #tpu.memory_space<vmem>>) semaphore(%arg12 : memref<!tpu.dma_semaphore, #tpu.memory_space<semaphore_mem>>)
      %dma_start3A_58 = arith.constant 3 : i32
      %dma_start3A_59 = arith.constant 384 : i32
      %dma_start3A_60 = arith.constant 0 : i32
      %dma_start3A_61 = tpu.memref_slice %arg8[%dma_start3A_59, %dma_start3A_60] : memref<512x16xf32, #tpu.memory_space<vmem>> -> memref<128x16xf32, #tpu.memory_space<vmem>>
      %dma_start3A_62 = arith.constant 0 : i32
      %dma_start3A_63 = tpu.memref_slice %arg7[%dma_start3A_58, %dma_start3A_62] : memref<4x128xi32, #tpu.memory_space<vmem>> -> memref<1x128xi32, #tpu.memory_space<vmem>>
      %dma_start3A_64 = tpu.memref_squeeze %dma_start3A_63 : memref<1x128xi32, #tpu.memory_space<vmem>> -> memref<128xi32, #tpu.memory_space<vmem>>
      %dma_start3A_65 = arith.constant 0 : i32
      %dma_start3A_66 = arith.constant 0 : i32
      %dma_start3A_67 = tpu.memref_slice %arg2[%dma_start3A_65, %dma_start3A_66] : memref<2600832x16xf32, #tpu.memory_space<hbm>> -> memref<2600832x16xf32, #tpu.memory_space<hbm>>
      tpu.enqueue_indirect_dma source(%dma_start3A_67 : memref<2600832x16xf32, #tpu.memory_space<hbm>>) target(%dma_start3A_61 : memref<128x16xf32, #tpu.memory_space<vmem>>) offsets(%dma_start3A_64 : memref<128xi32, #tpu.memory_space<vmem>>) semaphore(%arg12 : memref<!tpu.dma_semaphore, #tpu.memory_space<semaphore_mem>>)
      "tpu.region"() ({
        %run_scoped3A = tpu.sem_alloc : memref<!tpu.dma_semaphore, #tpu.memory_space<semaphore_mem>>
        %dma_start3A_118 = arith.constant 0 : i32
        %dma_start3A_119 = tpu.memref_slice %arg4[%scan3A_25, %dma_start3A_118] : memref<26x16xf32, #tpu.memory_space<hbm>> -> memref<1x16xf32, #tpu.memory_space<hbm>>
        %dma_start3A_120 = tpu.memref_squeeze %dma_start3A_119 : memref<1x16xf32, #tpu.memory_space<hbm>> -> memref<16xf32, #tpu.memory_space<hbm>>
        %dma_start3A_121 = arith.constant 0 : i32
        %dma_start3A_122 = tpu.memref_slice %arg4[%scan3A_25, %dma_start3A_121] : memref<26x16xf32, #tpu.memory_space<hbm>> -> memref<1x16xf32, #tpu.memory_space<hbm>>
        %dma_start3A_123 = tpu.memref_squeeze %dma_start3A_122 : memref<1x16xf32, #tpu.memory_space<hbm>> -> memref<16xf32, #tpu.memory_space<hbm>>
        tpu.enqueue_dma source(%dma_start3A_123 : memref<16xf32, #tpu.memory_space<hbm>>) target(%arg10 : memref<16xf32, #tpu.memory_space<vmem>>) target_semaphore(%run_scoped3A : memref<!tpu.dma_semaphore, #tpu.memory_space<semaphore_mem>>)
        %dma_wait3A_124 = arith.constant 0 : i32
        %dma_wait3A_125 = tpu.memref_slice %arg4[%scan3A_25, %dma_wait3A_124] : memref<26x16xf32, #tpu.memory_space<hbm>> -> memref<1x16xf32, #tpu.memory_space<hbm>>
        %dma_wait3A_126 = tpu.memref_squeeze %dma_wait3A_125 : memref<1x16xf32, #tpu.memory_space<hbm>> -> memref<16xf32, #tpu.memory_space<hbm>>
        %dma_wait3A_127 = arith.constant 0 : i32
        %dma_wait3A_128 = tpu.memref_slice %arg4[%scan3A_25, %dma_wait3A_127] : memref<26x16xf32, #tpu.memory_space<hbm>> -> memref<1x16xf32, #tpu.memory_space<hbm>>
        %dma_wait3A_129 = tpu.memref_squeeze %dma_wait3A_128 : memref<1x16xf32, #tpu.memory_space<hbm>> -> memref<16xf32, #tpu.memory_space<hbm>>
        tpu.wait_dma2 semaphore(%run_scoped3A : memref<!tpu.dma_semaphore, #tpu.memory_space<semaphore_mem>>) src(%dma_wait3A_129 : memref<16xf32, #tpu.memory_space<hbm>>) dst(%arg10 : memref<16xf32, #tpu.memory_space<vmem>>)
        tpu.yield
      }) : () -> ()
      %dma_wait3A = arith.constant 0 : i32
      %dma_wait3A_68 = arith.constant 0 : i32
      %dma_wait3A_69 = arith.constant 0 : i32
      %dma_wait3A_70 = tpu.memref_slice %arg8[%dma_wait3A_68, %dma_wait3A_69] : memref<512x16xf32, #tpu.memory_space<vmem>> -> memref<128x16xf32, #tpu.memory_space<vmem>>
      %dma_wait3A_71 = arith.constant 0 : i32
      %dma_wait3A_72 = tpu.memref_slice %arg7[%dma_wait3A, %dma_wait3A_71] : memref<4x128xi32, #tpu.memory_space<vmem>> -> memref<1x128xi32, #tpu.memory_space<vmem>>
      %dma_wait3A_73 = tpu.memref_squeeze %dma_wait3A_72 : memref<1x128xi32, #tpu.memory_space<vmem>> -> memref<128xi32, #tpu.memory_space<vmem>>
      %dma_wait3A_74 = arith.constant 0 : i32
      %dma_wait3A_75 = arith.constant 0 : i32
      %dma_wait3A_76 = tpu.memref_slice %arg2[%dma_wait3A_74, %dma_wait3A_75] : memref<2600832x16xf32, #tpu.memory_space<hbm>> -> memref<2600832x16xf32, #tpu.memory_space<hbm>>
      tpu.wait_indirect_dma semaphore(%arg12 : memref<!tpu.dma_semaphore, #tpu.memory_space<semaphore_mem>>) src(%dma_wait3A_76 : memref<2600832x16xf32, #tpu.memory_space<hbm>>) dst(%dma_wait3A_70 : memref<128x16xf32, #tpu.memory_space<vmem>>)
      %dma_wait3A_77 = arith.constant 1 : i32
      %dma_wait3A_78 = arith.constant 128 : i32
      %dma_wait3A_79 = arith.constant 0 : i32
      %dma_wait3A_80 = tpu.memref_slice %arg8[%dma_wait3A_78, %dma_wait3A_79] : memref<512x16xf32, #tpu.memory_space<vmem>> -> memref<128x16xf32, #tpu.memory_space<vmem>>
      %dma_wait3A_81 = arith.constant 0 : i32
      %dma_wait3A_82 = tpu.memref_slice %arg7[%dma_wait3A_77, %dma_wait3A_81] : memref<4x128xi32, #tpu.memory_space<vmem>> -> memref<1x128xi32, #tpu.memory_space<vmem>>
      %dma_wait3A_83 = tpu.memref_squeeze %dma_wait3A_82 : memref<1x128xi32, #tpu.memory_space<vmem>> -> memref<128xi32, #tpu.memory_space<vmem>>
      %dma_wait3A_84 = arith.constant 0 : i32
      %dma_wait3A_85 = arith.constant 0 : i32
      %dma_wait3A_86 = tpu.memref_slice %arg2[%dma_wait3A_84, %dma_wait3A_85] : memref<2600832x16xf32, #tpu.memory_space<hbm>> -> memref<2600832x16xf32, #tpu.memory_space<hbm>>
      tpu.wait_indirect_dma semaphore(%arg12 : memref<!tpu.dma_semaphore, #tpu.memory_space<semaphore_mem>>) src(%dma_wait3A_86 : memref<2600832x16xf32, #tpu.memory_space<hbm>>) dst(%dma_wait3A_80 : memref<128x16xf32, #tpu.memory_space<vmem>>)
      %dma_wait3A_87 = arith.constant 2 : i32
      %dma_wait3A_88 = arith.constant 256 : i32
      %dma_wait3A_89 = arith.constant 0 : i32
      %dma_wait3A_90 = tpu.memref_slice %arg8[%dma_wait3A_88, %dma_wait3A_89] : memref<512x16xf32, #tpu.memory_space<vmem>> -> memref<128x16xf32, #tpu.memory_space<vmem>>
      %dma_wait3A_91 = arith.constant 0 : i32
      %dma_wait3A_92 = tpu.memref_slice %arg7[%dma_wait3A_87, %dma_wait3A_91] : memref<4x128xi32, #tpu.memory_space<vmem>> -> memref<1x128xi32, #tpu.memory_space<vmem>>
      %dma_wait3A_93 = tpu.memref_squeeze %dma_wait3A_92 : memref<1x128xi32, #tpu.memory_space<vmem>> -> memref<128xi32, #tpu.memory_space<vmem>>
      %dma_wait3A_94 = arith.constant 0 : i32
      %dma_wait3A_95 = arith.constant 0 : i32
      %dma_wait3A_96 = tpu.memref_slice %arg2[%dma_wait3A_94, %dma_wait3A_95] : memref<2600832x16xf32, #tpu.memory_space<hbm>> -> memref<2600832x16xf32, #tpu.memory_space<hbm>>
      tpu.wait_indirect_dma semaphore(%arg12 : memref<!tpu.dma_semaphore, #tpu.memory_space<semaphore_mem>>) src(%dma_wait3A_96 : memref<2600832x16xf32, #tpu.memory_space<hbm>>) dst(%dma_wait3A_90 : memref<128x16xf32, #tpu.memory_space<vmem>>)
      %dma_wait3A_97 = arith.constant 3 : i32
      %dma_wait3A_98 = arith.constant 384 : i32
      %dma_wait3A_99 = arith.constant 0 : i32
      %dma_wait3A_100 = tpu.memref_slice %arg8[%dma_wait3A_98, %dma_wait3A_99] : memref<512x16xf32, #tpu.memory_space<vmem>> -> memref<128x16xf32, #tpu.memory_space<vmem>>
      %dma_wait3A_101 = arith.constant 0 : i32
      %dma_wait3A_102 = tpu.memref_slice %arg7[%dma_wait3A_97, %dma_wait3A_101] : memref<4x128xi32, #tpu.memory_space<vmem>> -> memref<1x128xi32, #tpu.memory_space<vmem>>
      %dma_wait3A_103 = tpu.memref_squeeze %dma_wait3A_102 : memref<1x128xi32, #tpu.memory_space<vmem>> -> memref<128xi32, #tpu.memory_space<vmem>>
      %dma_wait3A_104 = arith.constant 0 : i32
      %dma_wait3A_105 = arith.constant 0 : i32
      %dma_wait3A_106 = tpu.memref_slice %arg2[%dma_wait3A_104, %dma_wait3A_105] : memref<2600832x16xf32, #tpu.memory_space<hbm>> -> memref<2600832x16xf32, #tpu.memory_space<hbm>>
      tpu.wait_indirect_dma semaphore(%arg12 : memref<!tpu.dma_semaphore, #tpu.memory_space<semaphore_mem>>) src(%dma_wait3A_106 : memref<2600832x16xf32, #tpu.memory_space<hbm>>) dst(%dma_wait3A_100 : memref<128x16xf32, #tpu.memory_space<vmem>>)
      %get3A_107 = arith.constant 0 : index
      %get3A_108 = tpu.vector_load %arg10[%get3A_107] {strides = array<i32>} : memref<16xf32, #tpu.memory_space<vmem>>, vector<16xf32>,
      %get3A_109 = vector.shape_cast %get3A_108 : vector<16xf32> to vector<16xf32>
      %scan3A_110 = arith.constant 0 : i32
      %scan3A_111 = arith.constant 0 : i32
      %scan3A_112 = arith.constant 512 : i32
      %scan3A_113 = arith.addi %scan3A_111, %scan3A_112 : i32
      %scan3A_114 = arith.constant 1 : i32
      %scan3A_115 = scf.for %scan3A_118 = %scan3A_111 to %scan3A_113 step %scan3A_114 iter_args(%scan3A_119 = %scan3A_110) -> (i32)  : i32 {
        %get3A_120 = arith.index_cast %scan3A_118 : i32 to index
        %get3A_121 = arith.constant 0 : index
        %get3A_122 = tpu.vector_load %arg8[%get3A_120, %get3A_121] {strides = array<i32>} : memref<512x16xf32, #tpu.memory_space<vmem>>, vector<1x16xf32>,
        %get3A_123 = vector.shape_cast %get3A_122 : vector<1x16xf32> to vector<16xf32>
        %mul3A_124 = arith.constant 2.560000e+02 : f32
        %mul3A_125 = vector.broadcast %mul3A_124 : f32 to vector<16xf32>
        %mul3A_126 = arith.mulf %get3A_123, %mul3A_125 : vector<16xf32>
        %sub3A = arith.subf %get3A_109, %mul3A_126 : vector<16xf32>
        %add3A_127 = arith.constant 0x4B400000 : f32
        %add3A_128 = vector.broadcast %add3A_127 : f32 to vector<16xf32>
        %add3A_129 = arith.addf %sub3A, %add3A_128 : vector<16xf32>
        %get3A_130 = arith.index_cast %scan3A_118 : i32 to index
        %get3A_131 = arith.constant 0 : index
        %get3A_132 = tpu.vector_load %arg9[%get3A_130, %get3A_131] {strides = array<i32>} : memref<512x16xf32, #tpu.memory_space<vmem>>, vector<1x16xf32>,
        %get3A_133 = vector.shape_cast %get3A_132 : vector<1x16xf32> to vector<16xf32>
        %sub3A_134 = arith.constant 0x4B400000 : f32
        %sub3A_135 = vector.broadcast %sub3A_134 : f32 to vector<16xf32>
        %sub3A_136 = arith.subf %add3A_129, %sub3A_135 : vector<16xf32>
        %add3A_137 = arith.addf %get3A_133, %sub3A_136 : vector<16xf32>
        %swap3A = arith.index_cast %scan3A_118 : i32 to index
        %swap3A_138 = arith.constant 0 : index
        %swap3A_139 = tpu.vector_load %arg9[%swap3A, %swap3A_138] {strides = array<i32>} : memref<512x16xf32, #tpu.memory_space<vmem>>, vector<1x16xf32>,
        %swap3A_140 = vector.shape_cast %swap3A_139 : vector<1x16xf32> to vector<16xf32>
        %swap3A_141 = vector.shape_cast %add3A_137 : vector<16xf32> to vector<1x16xf32>
        tpu.vector_store %arg9[%swap3A, %swap3A_138], %swap3A_141 {strides = array<i32>} : memref<512x16xf32, #tpu.memory_space<vmem>>, vector<1x16xf32>,
        %scan3A_142 = arith.constant 0 : i32
        scf.yield %scan3A_142 : i32
      }
      %scan3A_116 = arith.constant 512 : i32
      %scan3A_117 = arith.constant 0 : i32
      scf.yield %scan3A_117 : i32
    }
    %scan3A_15 = arith.constant 26 : i32
    "tpu.region"() ({
      %run_scoped3A = tpu.sem_alloc : memref<!tpu.dma_semaphore, #tpu.memory_space<semaphore_mem>>
      tpu.enqueue_dma source(%arg5 : memref<16xf32, #tpu.memory_space<hbm>>) target(%arg11 : memref<16xf32, #tpu.memory_space<vmem>>) target_semaphore(%run_scoped3A : memref<!tpu.dma_semaphore, #tpu.memory_space<semaphore_mem>>)
      tpu.wait_dma2 semaphore(%run_scoped3A : memref<!tpu.dma_semaphore, #tpu.memory_space<semaphore_mem>>) src(%arg5 : memref<16xf32, #tpu.memory_space<hbm>>) dst(%arg11 : memref<16xf32, #tpu.memory_space<vmem>>)
      tpu.yield
    }) : () -> ()
    %get3A = arith.constant 0 : index
    %get3A_16 = tpu.vector_load %arg11[%get3A] {strides = array<i32>} : memref<16xf32, #tpu.memory_space<vmem>>, vector<16xf32>,
    %get3A_17 = vector.shape_cast %get3A_16 : vector<16xf32> to vector<16xf32>
    %scan3A_18 = arith.constant 0 : i32
    %scan3A_19 = arith.constant 0 : i32
    %scan3A_20 = arith.constant 512 : i32
    %scan3A_21 = arith.addi %scan3A_19, %scan3A_20 : i32
    %scan3A_22 = arith.constant 1 : i32
    %scan3A_23 = scf.for %scan3A_25 = %scan3A_19 to %scan3A_21 step %scan3A_22 iter_args(%scan3A_26 = %scan3A_18) -> (i32)  : i32 {
      %get3A_27 = arith.index_cast %scan3A_25 : i32 to index
      %get3A_28 = arith.constant 0 : index
      %get3A_29 = tpu.vector_load %arg9[%get3A_27, %get3A_28] {strides = array<i32>} : memref<512x16xf32, #tpu.memory_space<vmem>>, vector<1x16xf32>,
      %get3A_30 = vector.shape_cast %get3A_29 : vector<1x16xf32> to vector<16xf32>
      %mul3A_31 = arith.constant 3.906250e-03 : f32
      %mul3A_32 = vector.broadcast %mul3A_31 : f32 to vector<16xf32>
      %mul3A_33 = arith.mulf %get3A_30, %mul3A_32 : vector<16xf32>
      %sub3A = arith.subf %get3A_17, %mul3A_33 : vector<16xf32>
      %swap3A = arith.index_cast %scan3A_25 : i32 to index
      %swap3A_34 = arith.constant 0 : index
      %swap3A_35 = tpu.vector_load %arg9[%swap3A, %swap3A_34] {strides = array<i32>} : memref<512x16xf32, #tpu.memory_space<vmem>>, vector<1x16xf32>,
      %swap3A_36 = vector.shape_cast %swap3A_35 : vector<1x16xf32> to vector<16xf32>
      %swap3A_37 = vector.shape_cast %sub3A : vector<16xf32> to vector<1x16xf32>
      tpu.vector_store %arg9[%swap3A, %swap3A_34], %swap3A_37 {strides = array<i32>} : memref<512x16xf32, #tpu.memory_space<vmem>>, vector<1x16xf32>,
      %scan3A_38 = arith.constant 0 : i32
      scf.yield %scan3A_38 : i32
    }
    %scan3A_24 = arith.constant 512 : i32
    "tpu.region"() ({
      %run_scoped3A = tpu.sem_alloc : memref<!tpu.dma_semaphore, #tpu.memory_space<semaphore_mem>>
      %dma_start3A = arith.constant 0 : i32
      %dma_start3A_25 = tpu.memref_slice %arg6[%mul3A_2, %dma_start3A] : memref<16384x16xf32, #tpu.memory_space<hbm>> -> memref<512x16xf32, #tpu.memory_space<hbm>>
      %dma_start3A_26 = arith.constant 0 : i32
      %dma_start3A_27 = tpu.memref_slice %arg6[%mul3A_2, %dma_start3A_26] : memref<16384x16xf32, #tpu.memory_space<hbm>> -> memref<512x16xf32, #tpu.memory_space<hbm>>
      tpu.enqueue_dma source(%arg9 : memref<512x16xf32, #tpu.memory_space<vmem>>) target(%dma_start3A_27 : memref<512x16xf32, #tpu.memory_space<hbm>>) target_semaphore(%run_scoped3A : memref<!tpu.dma_semaphore, #tpu.memory_space<semaphore_mem>>)
      %dma_wait3A = arith.constant 0 : i32
      %dma_wait3A_28 = tpu.memref_slice %arg6[%mul3A_2, %dma_wait3A] : memref<16384x16xf32, #tpu.memory_space<hbm>> -> memref<512x16xf32, #tpu.memory_space<hbm>>
      %dma_wait3A_29 = arith.constant 0 : i32
      %dma_wait3A_30 = tpu.memref_slice %arg6[%mul3A_2, %dma_wait3A_29] : memref<16384x16xf32, #tpu.memory_space<hbm>> -> memref<512x16xf32, #tpu.memory_space<hbm>>
      tpu.wait_dma2 semaphore(%run_scoped3A : memref<!tpu.dma_semaphore, #tpu.memory_space<semaphore_mem>>) src(%arg9 : memref<512x16xf32, #tpu.memory_space<vmem>>) dst(%dma_wait3A_30 : memref<512x16xf32, #tpu.memory_space<hbm>>)
      tpu.yield
    }) : () -> ()
    return
  }
}

module attributes {stable_mosaic.version = 14 : i64} {
  func.func @_lse_body(%arg0: i32, %arg1: memref<1x16x100000xf32, #tpu.memory_space<vmem>>, %arg2: memref<1x1x16xf32, #tpu.memory_space<vmem>>) attributes {dimension_semantics = [#tpu.dimension_semantics<arbitrary>], iteration_bounds = array<i64: 26>, scalar_prefetch = 0 : i64, scratch_operands = 0 : i64, tpu.core_type = #tpu.core_type<tc>, window_params = [{transform_indices = @transform_0, window_bounds = array<i64: 1, 16, 100000>}, {transform_indices = @transform_1, window_bounds = array<i64: 1, 1, 16>}]} {
    %get3A = arith.constant 0 : index
    %get3A_0 = arith.constant 0 : index
    %get3A_1 = arith.constant 0 : index
    %get3A_2 = vector.load %arg1[%get3A, %get3A_0, %get3A_1] : memref<1x16x100000xf32, #tpu.memory_space<vmem>>, vector<1x16x100000xf32>
    %get3A_3 = vector.shape_cast %get3A_2 : vector<1x16x100000xf32> to vector<16x100000xf32>
    %exp3A = math.exp %get3A_3 : vector<16x100000xf32>
    %reduce_sum3A = arith.constant dense<0.000000e+00> : vector<16xf32>
    %reduce_sum3A_4 = vector.multi_reduction <add>, %exp3A, %reduce_sum3A [1] : vector<16x100000xf32> to vector<16xf32>
    %log3A = math.log %reduce_sum3A_4 : vector<16xf32>
    %mul3A = arith.constant 2.560000e+02 : f32
    %mul3A_5 = vector.broadcast %mul3A : f32 to vector<16xf32>
    %mul3A_6 = arith.mulf %log3A, %mul3A_5 : vector<16xf32>
    %reshape3A = vector.shape_cast %mul3A_6 : vector<16xf32> to vector<1x16xf32>
    %swap3A = arith.constant 0 : index
    %swap3A_7 = arith.constant 0 : index
    %swap3A_8 = arith.constant 0 : index
    %swap3A_9 = vector.load %arg2[%swap3A, %swap3A_7, %swap3A_8] : memref<1x1x16xf32, #tpu.memory_space<vmem>>, vector<1x1x16xf32>
    %swap3A_10 = vector.shape_cast %swap3A_9 : vector<1x1x16xf32> to vector<1x16xf32>
    %swap3A_11 = vector.shape_cast %reshape3A : vector<1x16xf32> to vector<1x1x16xf32>
    tpu.vector_store %arg2[%swap3A, %swap3A_7, %swap3A_8], %swap3A_11 {strides = array<i32>} : memref<1x1x16xf32, #tpu.memory_space<vmem>>, vector<1x1x16xf32>,
    return
  }
  func.func @transform_0(%arg0: i32) -> (i32, i32, i32) {
    %c0_i32 = arith.constant 0 : i32
    %c0_i32_0 = arith.constant 0 : i32
    %c0_i32_1 = arith.constant 0 : i32
    return %arg0, %c0_i32, %c0_i32_0 : i32, i32, i32
  }
  func.func @transform_1(%arg0: i32) -> (i32, i32, i32) {
    %c0_i32 = arith.constant 0 : i32
    %c0_i32_0 = arith.constant 0 : i32
    %c0_i32_1 = arith.constant 0 : i32
    return %arg0, %c0_i32, %c0_i32_0 : i32, i32, i32
  }
}

</mosaic_0001>

<sc_bundles>
// kernel: kernel.5.cloned.1.call-start
scs
__scs_entry_jumppad:
0x0: {  	(pc) =	sbr.rel $0x88, $3  }
0x1: {  	(tag) =	ssettag $0x0;
	lr =	simm.s32 $0x1  }
0x2: {  	[smem:$0x3F9E] =	sst lr;
	_ =	strace $0xD0000000  }
0x3: {  	_ = 	snop  }
0x4: {  	_ = 	snop  }
0x5: {  	_ = 	snop  }
0x6: {  	_ = 	snop  }
0x7: {  	_ = 	snop  }
__scs_overlays_trampoline_lowered:
0x8: {  	[smem:$0x3FAD] =	sst s0  }
0x9: {  	[smem:$0x3FAE] =	sst s1  }
0xa: {  	[smem:$0x3FAF] =	sst s2  }
0xb: {  	[smem:$0x3FB0] =	sst s3  }
0xc: {  	[smem:$0x3FB1] =	sst s4  }
0xd: {  	[smem:$0x3FB2] =	sst s5  }
0xe: {  	[smem:$0x3FB3] =	sst s6  }
0xf: {  	[smem:$0x3FB4] =	sst s7  }
0x10: {  	[smem:$0x3FB5] =	sst s8  }
0x11: {  	[smem:$0x3FB6] =	sst s9;
	s0 =	simm.s32 @!p0 $0x0  }
0x12: {  	s1 =	sld [smem:$0x3F9C];
	s0 =	simm.s32 @p0 $0x1  }
0x13: {  	[smem:$0x3FB7] =	sst s0;
	s0 =	simm.s32 @!p1 $0x0  }
0x14: {  	s2 =	sld [smem:$0x3F9B];
	s0 =	simm.s32 @p1 $0x1  }
0x15: {  	[smem:$0x3FB8] =	sst s0;
	s0 =	simm.s32 @!p2 $0x0  }
0x16: {  	s3 =	sld [smem:$0x3FDB];
	s0 =	simm.s32 @p2 $0x1  }
0x17: {  	s4 =	simm.s32 $0x1BF5;
	[smem:$0x3FBA] =	sst s0  }
0x18: {  	s0 =	sld [smem:$0x3F9D];
	_ =	swait.ge [sflag:s4], $0x0  }
0x19: {  	s7 =	sld [smem:$0x3F9E]  }
0x1a: {  	s8 =	sadd.s32 $0xFFFFE003, lr  }
0x1b: {  	s9 =	sadd.s32 $0xFFFFFEF7, lr;
	s5 =	simm.s32 $0xFFFFFFFF;
	p2 =	slt.u32 s8, $0xFFFFF086  }
0x1c: {  	p1 =	slt.u32 s9, $0xF7A;
	s5 =	simm.s32 @!p2 $0x0  }
0x1d: {  	s5 =	simm.s32 @p1 $0x1;
	p0 =	seq.s32 s7, s2  }
0x1e: {  	s7 =	smul.u32 @!p0 $0xF7A, s2;
	p2 =	seq.s32 @!p0 s5, $0x0  }
0x1f: {  	s9 =	smul.u32 $0xF7A, s1;
	s8 =	simm.s32 @!p0 $0x1BF5;
	p2 =	por !p2, p0  }
0x20: {  	[sflag:s8] =	ssyncset.s32 @!p0 $0xFFFFF086;
	s6 =	sadd.s32 @!p0 s3, s7;
	s7 =	simm.s32 @!p0 $0x108  }
0x21: {  	s3 =	sadd.s32 s3, s9;
	s6 =	sadd.s32 @!p0 $0x88, s6;
	s7 =	simm.s32 @p2 $0x1082  }
0x22: {  	[simem:s7], [sflag:s8] =	dma.local @!p0 [hbm:s6], $0xF7A  }
0x23: {  	s9 =	sor.u32 $0xD0000000, s2;
	s6 =	simm.s32 $0x108;
	_ =	swait.ge @!p0 [sflag:s8], $0x0  }
0x24: {  	s3 =	sadd.s32 $0x88, s3;
	s6 =	simm.s32 @!p1 $0x1082;
	[sflag:s4] =	ssyncset.s32 $0xFFFFF086  }
0x25: {  	[simem:s6], [sflag:s4] =	dma.local [hbm:s3], $0xF7A  }
0x26: {  	[smem:$0x3F9E] =	sst s1;
	(tag) =	ssettag s2;
	_ =	strace s9  }
0x27: {  	s1 =	sld [smem:$0x3FAE]  }
0x28: {  	s2 =	sld [smem:$0x3FAF]  }
0x29: {  	s4 =	sld [smem:$0x3FB1]  }
0x2a: {  	p0 =	seq.s32 s5, $0x0;
	s5 =	sld [smem:$0x3FB2]  }
0x2b: {  	s6 =	sld [smem:$0x3FB3]  }
0x2c: {  	s7 =	sld [smem:$0x3FB4]  }
0x2d: {  	s3 =	simm.s32 $0x108;
	s8 =	sld [smem:$0x3FB5]  }
0x2e: {  	s3 =	simm.s32 @!p0 $0x1082;
	s9 =	sld [smem:$0x3FB6]  }
0x2f: {  	lr =	sadd.s32 s0, s3;
	s0 =	sld [smem:$0x3FAD]  }
0x30: {  	s3 =	sld [smem:$0x3FB0]  }
0x31: {  	[smem:$0x3FB9] =	sst s10  }
0x32: {  	s10 =	sld [smem:$0x3FB7];
	_ =	sdelay $0x3  }
0x33: {  	p0 =	seq.s32 s10, $0x1;
	s10 =	sld [smem:$0x3FB9];
	_ =	sdelay $0x3  }
0x34: {  	[smem:$0x3FB9] =	sst s10  }
0x35: {  	s10 =	sld [smem:$0x3FB8];
	_ =	sdelay $0x3  }
0x36: {  	p1 =	seq.s32 s10, $0x1;
	s10 =	sld [smem:$0x3FB9];
	_ =	sdelay $0x3  }
0x37: {  	[smem:$0x3FB9] =	sst s10  }
0x38: {  	s10 =	sld [smem:$0x3FBA]  }
0x39: {  	_ = 	snop;
	(pc) =	sbr.ind lr, $3  }
0x3a: {  	_ = 	snop  }
0x3b: {  	_ = 	snop  }
0x3c: {  	p2 =	seq.s32 s10, $0x1;
	s10 =	sld [smem:$0x3FB9]  }
0x3d: {  	_ =	shalt  }
0x3e: {  	_ =	shalt  }
0x3f: {  	_ =	shalt  }
0x40: {  	_ =	shalt  }
0x41: {  	_ =	shalt  }
0x42: {  	_ =	shalt  }
0x43: {  	_ =	shalt  }
0x44: {  	_ =	shalt  }
0x45: {  	_ =	shalt  }
0x46: {  	_ =	shalt  }
0x47: {  	_ =	shalt  }
0x48: {  	_ =	shalt  }
0x49: {  	_ =	shalt  }
0x4a: {  	_ =	shalt  }
0x4b: {  	_ =	shalt  }
0x4c: {  	_ =	shalt  }
0x4d: {  	_ =	shalt  }
0x4e: {  	_ =	shalt  }
0x4f: {  	_ =	shalt  }
0x50: {  	_ =	shalt  }
0x51: {  	_ =	shalt  }
0x52: {  	_ =	shalt  }
0x53: {  	_ =	shalt  }
0x54: {  	_ =	shalt  }
0x55: {  	_ =	shalt  }
0x56: {  	_ =	shalt  }
0x57: {  	_ =	shalt  }
0x58: {  	_ =	shalt  }
0x59: {  	_ =	shalt  }
0x5a: {  	_ =	shalt  }
0x5b: {  	_ =	shalt  }
0x5c: {  	_ =	shalt  }
0x5d: {  	_ =	shalt  }
0x5e: {  	_ =	shalt  }
0x5f: {  	_ =	shalt  }
0x60: {  	_ =	shalt  }
0x61: {  	_ =	shalt  }
0x62: {  	_ =	shalt  }
0x63: {  	_ =	shalt  }
0x64: {  	_ =	shalt  }
0x65: {  	_ =	shalt  }
0x66: {  	_ =	shalt  }
0x67: {  	_ =	shalt  }
0x68: {  	_ =	shalt  }
0x69: {  	_ =	shalt  }
0x6a: {  	_ =	shalt  }
0x6b: {  	_ =	shalt  }
0x6c: {  	_ =	shalt  }
0x6d: {  	_ =	shalt  }
0x6e: {  	_ =	shalt  }
0x6f: {  	_ =	shalt  }
0x70: {  	_ =	shalt  }
0x71: {  	_ =	shalt  }
0x72: {  	_ =	shalt  }
0x73: {  	_ =	shalt  }
0x74: {  	_ =	shalt  }
0x75: {  	_ =	shalt  }
0x76: {  	_ =	shalt  }
0x77: {  	_ =	shalt  }
0x78: {  	_ =	shalt  }
0x79: {  	_ =	shalt  }
0x7a: {  	_ =	shalt  }
0x7b: {  	_ =	shalt  }
0x7c: {  	_ =	shalt  }
0x7d: {  	_ =	shalt  }
0x7e: {  	_ =	shalt  }
0x7f: {  	_ =	shalt  }
0x80: {  	_ =	shalt  }
0x81: {  	_ =	shalt  }
0x82: {  	_ =	shalt  }
0x83: {  	_ =	shalt  }
0x84: {  	_ =	shalt  }
0x85: {  	_ =	shalt  }
0x86: {  	_ =	shalt  }
0x87: {  	_ =	shalt  }
.Lfunc_end0:
.L_simem_size_0:
called_computation_lowered:
.L_overlay_start_0:
0x88: {  	s2 =	sld [smem:$0x3FD9]  }
0x89: {  	s3 =	sld [smem:$0x3FFE];
	_ =	sdelay $0x1  }
0x8a: {  	s1 =	srdreg.scid  }
0x8b: {  	s0 =	sand.u32 $0x1, s1  }
0x8c: {  	s17 =	sshll.u32 s0, $0xA;
	s2 =	sadd.s32 s3, s2  }
0x8d: {  	s2 =	sadd.s32 s2, s17  }
0x8e: {  	[smem:$0x3FC5] =	sst s2  }
0x8f: {  	_ = 	snop  }
0x90: {  	s2 =	sld [smem:$0x3FC7];
	(tm) =	ssettm $0x1  }
0x91: {  	s18 =	sld [smem:$0x3FFB];
	_ =	sdelay $0x3  }
0x92: {  	_ =	strace s18  }
0x93: {  	s3 =	sld [smem:$0x3FFC];
	_ =	sdelay $0x3  }
0x94: {  	_ =	strace s3  }
0x95: {  	s3 =	sld [smem:$0x3FFD];
	_ =	sdelay $0x3  }
0x96: {  	_ =	strace s3  }
0x97: {  	_ =	strace $0x8FFFFFFF  }
0x98: {  	s19 =	sld [smem:$0x3FDB];
	_ =	sdelay $0x1  }
0x99: {  	s4 =	simm.s32 $_scs_section_size  }
0x9a: {  	s5 =	simm.s32 $_size__tile_overlayer_lowered;
	s6 =	simm.s32 $_tile_overlayer_lowered  }
0x9b: {  	s22 =	simm.s32 $0x1BFF;
	s21 =	sshll.u32 s6, $0x1;
	s3 =	sadd.s32 s4, s19  }
0x9c: {  	s7 =	simm.s32 $0x0;
	s20 =	sshll.u32 s5, $0x1;
	s5 =	sadd.s32 s21, s3  }
0x9d: {  	[timem:s7], [sflag:s22] =	dma.local [hbm:s5], s20  }
0x9e: {  	_ =	swait.ge [sflag:s22], s20  }
0x9f: {  	s4 =	ssub.s32 $0x0, s20;
	[sflag:s22] =	ssyncset.done $0x0  }
0xa0: {  	[sflag:s22] =	ssyncadd.s32 s4;
	_ =	sdelay $0x1  }
0xa1: {  	s23 =	simm.s32 $0x1B8B  }
0xa2: {  	_ =	swait.ge [sflag:s23], $0x1  }
0xa3: {  	[sflag:s23] =	ssyncset.done $0x0  }
0xa4: {  	s25 =	simm.s32 $0x1B8E;
	s24 =	sld [smem:$0x3FFE];
	[sflag:s23] =	ssyncadd.s32 $0xFFFFFFFF  }
0xa5: {  	s26 =	simm.s32 $execute0_lowered;
	[smem:$0x3FD2] =	sst s25  }
0xa6: {  	s5 =	sshll.u32 s26, $0x1;
	_ =	strace $0x80000046;
	[dreg:$0x1] =	wrdreg $0xFFFFFFFF  }
0xa7: {  	s28 =	simm.s32 $_size_execute0_lowered;
	s3 =	sadd.s32 s3, s5;
	[dreg:$0x0] =	wrdreg $0x0  }
0xa8: {  	s5 =	sshll.u32 s28, $0x1;
	[dreg:$0x2] =	wrdreg s3  }
0xa9: {  	[dreg:$0x3] =	wrdreg s5  }
0xaa: {  	[dreg:$0x4] =	wrdreg $0xC0  }
0xab: {  	_ =	task [dreg:s7], $0x5FFFF  }
0xac: {  	[dreg:$0x1] =	wrdreg $0xFFFFFFFF  }
0xad: {  	[dreg:$0x0] =	wrdreg $0x60  }
0xae: {  	[dreg:$0x2] =	wrdreg s2  }
0xaf: {  	[dreg:$0x3] =	wrdreg s24  }
0xb0: {  	[dreg:$0x4] =	wrdreg $0x9  }
0xb1: {  	_ =	task.clear_ibuf [dreg:s7], $0x5FFFF;
	_ =	strace $0x90000046  }
0xb2: {  	s29 =	simm.s32 $0x9;
	_ =	strace $0x80000048  }
0xb3: {  	_ =	swait.ge [sflag:s29], $0x1  }
0xb4: {  	[sflag:s29] =	ssyncadd.s32 $0xFFFFFFFF  }
0xb5: {  	_ =	strace $0x90000048  }
0xb6: {  	_ =	sfence  }
0xb7: {  	s30 =	sld [smem:$0x0];
	_ =	sdelay $0x2  }
0xb8: {  	s31 =	sshll.u32 s1, $0xD;
	s1 =	sshrl.u32 s1, $0x2  }
0xb9: {  	s3 =	sand.u32 $0x4000, s31;
	s1 =	sadd.s32 s1, s30  }
0xba: {  	s0 =	sor.u32 s3, s0;
	s1 =	sshll.u32 s1, $0x11  }
0xbb: {  	s0 =	sor.u32 s1, s0  }
0xbc: {  	s0 =	sadd.s32 $0x8F2B, s0  }
0xbd: {  	[sflag:s0] =	ssyncadd.remote.s32 $0x1  }
0xbe: {  	_ =	sfence.sel $0xFFFF  }
0xbf: {  	[dreg:$0x0] =	wrdreg $0xFFFFFFFF;
	(pc) =	sbr.abs _section_cstart, $3  }
0xc0: {  	[dreg:$0x1] =	wrdreg $0xFFFFFFFF  }
0xc1: {  	_ =	task.clear_ibuf [dreg:s7], $0x2FFFF;
	_ =	strace $0x9FFFFFFF  }
0xc2: {  	(tm) =	ssettm $0x7FFFFFFF  }
0xc3: {  	_ =	shalt  }
tec
execute0_lowered:
.L_overlay_start_1:
0x0: {  	(tag) =	ssettag $0x1  }
0x1: {  	s0 =	rddreg [dreg:$0x1];
	s25 =	simm.s32 $0x0  }
0x2: {  	s1 =	srdreg.scid;
	s2 =	simm.s32 $0x0;
	[dreg:$0x6] =	wrdreg s25  }
0x3: {  	s29 =	stileid.u32;
	s3 =	sand.u32 $0x1, s1;
	[smem:$0x7FF] =	sst s2  }
.Ltmp0:
0x4: {  	s0 =	sadd.s32 $0x200, s0;
	s26 =	ssub.s32 $0x2, s3;
	(pc) =	sbr.rel .LBB2_1-.Ltmp0, $4  }
0x5: {  	s31 =	sshll.u32 s29, $0x1;
	[dreg:$0x7] =	wrdreg s3;
	s28 =	sshrl.u32 s26, $0x1  }
0x6: {  	_ =	strace $0x80000047;
	[dreg:$0x8] =	wrdreg s0;
	s30 =	ssub.s32 s26, s28  }
0x7: {  	v0 =	vlaneseq.u32;
	[dreg:$0x9] =	wrdreg s31;
	s0 =	smax.u32 s30, $0x1  }
0x8: {  	s8 =	simm.s32 $0x4800;
	v1 =	vmul.u32 $0x11, v0;
	[dreg:$0xa] =	wrdreg s0  }
.LBB2_15:
0x9: {  	s0 =	rddreg [dreg:$0x6]  }
0xa: {  	s1 =	rddreg [dreg:$0xa];
	s0 =	sadd.s32 $0x1, s0  }
0xb: {  	p0 =	sne.s32 s0, s1  }
.Ltmp1:
0xc: {  	_ = 	snop;
	(pc) =	sbr.rel @!p0 .LBB2_16-.Ltmp1, $2  }
0xd: {  	_ =	sdelay $0x2  }
0xe: {  	[dreg:$0x6] =	wrdreg s0  }
.LBB2_1:
0xf: {  	s12 =	simm.s32 $0x0  }
.LBB2_2:
0x10: {  	s0 =	sshll.u32 s12, $0x5;
	s1 =	rddreg [dreg:$0x9]  }
0x11: {  	s19 =	rddreg [dreg:$0x7];
	s0 =	sor.u32 s0, s1  }
0x12: {  	s0 =	sor.u32 s19, s0  }
0x13: {  	s0 =	smin.u32 s0, $0x9F3  }
0x14: {  	s17 =	smulhi.u32 $0x29CBC15, s0;
	_ =	sdelay $0x1  }
0x15: {  	s20 =	smul.u32 $0xFFFFFF9E, s17;
	_ =	sdelay $0x1  }
0x16: {  	s1 =	smul.u32 $0x30E00, s17;
	s0 =	sadd.s32 s0, s20  }
0x17: {  	p1 =	sne.s32 s0, $0x61;
	s24 =	sshll.u32 s0, $0xA  }
0x18: {  	s2 =	sadd.s32 @p1 s1, s24  }
0x19: {  	s5 =	rddreg [dreg:$0x0];
	s16 =	simm.s32 $0x440;
	s2 =	sand.u32 @p1 $0x1FFFFE00, s2  }
0x1a: {  	s13 =	simm.s32 $0x0;
	s3 =	simm.s32 @p1 $0x0;
	s2 =	sadd.s32 @p1 s5, s2  }
0x1b: {  	[tilespmem:s3], [sflag:$0x1] =	stream.linear.gather @p1 [hbm4b:s2+s3], $0x2000, $0x38;
	[tilespmem:$0xDD00] =	vst v63  }
0x1c: {  	s22 =	simm.s32 $0x0;
	s4 =	simm.s32 @p1 $0x2400;
	s2 =	sadd.s32 @p1 $0x18700, s2  }
0x1d: {  	[tilespmem:s4], [sflag:$0x1] =	stream.linear.gather @p1 [hbm4b:s2+s3], $0x2000, $0x38;
	[tilespmem:$0xDD00] =	vst v63  }
0x1e: {  	s23 =	simm.s32 $0x10;
	s1 =	sadd.s32 @!p1 $0x18280, s1;
	s2 =	simm.s32 @p1 $0x1  }
0x1f: {  	s25 =	simm.s32 $0x0;
	s1 =	sand.u32 @!p1 $0x1FFFE80, s1;
	_ =	swait.ge @p1 [sflag:s2], $0x4000  }
0x20: {  	s1 =	sadd.s32 @!p1 s5, s1;
	s3 =	simm.s32 @!p1 $0xC3800;
	[sflag:s2] =	ssyncset.done @p1 $0x0  }
0x21: {  	s4 =	simm.s32 @!p1 $0x0;
	[sflag:s2] =	ssyncadd.s32 @p1 $0xFFFFC000;
	s2 =	simm.s32 @!p1 $0x2400  }
0x22: {  	[tilespmem:s4], [sflag:$0x1] =	stream.strided.gather @!p1 [hbm4b:s1+s2], $0x4800, s3, s2, $0x38;
	[tilespmem:$0xDD00] =	vst v63  }
0x23: {  	s31 =	sand.u32 $0x60, s22;
	p0 =	seq.s32 s0, $0x61;
	s1 =	simm.s32 @!p1 $0x1  }
0x24: {  	s30 =	sand.u32 $0x7FFFFC00, s13;
	s16 =	simm.s32 @!p0 $0x400;
	_ =	swait.ge @!p1 [sflag:s1], $0x4800  }
0x25: {  	s15 =	sand.u32 $0x70, s23;
	s21 =	sshrl.u32 s16, $0x4;
	[sflag:s1] =	ssyncset.done @!p1 $0x0  }
0x26: {  	s14 =	sor.u32 s31, s30;
	[dreg:$0x3] =	wrdreg s21;
	[sflag:s1] =	ssyncadd.s32 @!p1 $0xFFFFB800  }
0x27: {  	s26 =	simm.s32 $0x110;
	v3 =	vadd.s32 s25, v1;
	s2 =	sor.u32 s15, s30;
	v2 =	vld [tilespmem:s14+$0x0]  }
0x28: {  	v4 =	vadd.s32 s26, v1;
	v5 =	vld [tilespmem:s2+$0x0];
	_ =	sdelay $0x3  }
0x29: {  	s28 =	simm.s32 $0x1;
	s0 =	rddreg [dreg:$0x3];
	[tilespmem:v3+s8+$0x0] =	vst.idx.msk $0xffff, v2  }
0x2a: {  	s29 =	simm.s32 $0x111;
	v3 =	vadd.s32 s28, v1;
	[tilespmem:v4+s8+$0x0] =	vst.idx.msk $0xffff, v5;
	v2 =	vld [tilespmem:s14+$0x80]  }
0x2b: {  	v4 =	vadd.s32 s29, v1;
	v5 =	vld [tilespmem:s2+$0x80];
	_ =	sdelay $0x3  }
0x2c: {  	s3 =	simm.s32 $0x2;
	[tilespmem:v3+s8+$0x0] =	vst.idx.msk $0xffff, v2  }
0x2d: {  	s4 =	simm.s32 $0x112;
	v3 =	vadd.s32 s3, v1;
	[tilespmem:v4+s8+$0x0] =	vst.idx.msk $0xffff, v5;
	v2 =	vld [tilespmem:s14+$0x100]  }
0x2e: {  	v4 =	vadd.s32 s4, v1;
	v5 =	vld [tilespmem:s2+$0x100];
	_ =	sdelay $0x3  }
0x2f: {  	s5 =	simm.s32 $0x3;
	[tilespmem:v3+s8+$0x0] =	vst.idx.msk $0xffff, v2  }
0x30: {  	s6 =	simm.s32 $0x113;
	v3 =	vadd.s32 s5, v1;
	[tilespmem:v4+s8+$0x0] =	vst.idx.msk $0xffff, v5;
	v2 =	vld [tilespmem:s14+$0x180]  }
0x31: {  	s7 =	simm.s32 $0x114;
	s9 =	simm.s32 $0x115;
	s10 =	simm.s32 $0x116;
	v4 =	vadd.s32 s6, v1;
	v5 =	vld [tilespmem:s2+$0x180]  }
0x32: {  	s11 =	simm.s32 $0x117;
	s18 =	simm.s32 $0x118;
	p4 =	sgt.u32 s0, $0x2  }
.Ltmp2:
0x33: {  	p2 =	por $0x0, $0x0;
	p3 =	por $0x0, $0x0;
	v15 =	vadd.s32 s7, v1;
	v33 =	vadd.s32 s9, v1;
	(pc) =	sbr.rel @!p4 .LBB2_3-.Ltmp2, $4  }
0x34: {  	v28 =	vadd.s32 s10, v1;
	v23 =	vadd.s32 s11, v1;
	v22 =	vadd.s32 s18, v1;
	s19 =	simm.s32 $0x11A;
	s20 =	simm.s32 $0x11B;
	s21 =	simm.s32 $0x11C  }
0x35: {  	s25 =	simm.s32 $0x11F;
	v8 =	vadd.s32 s19, v1;
	v11 =	vadd.s32 s20, v1;
	v10 =	vadd.s32 s21, v1;
	s29 =	simm.s32 $0x4;
	s6 =	simm.s32 $0x119;
	[tilespmem:v3+s8+$0x0] =	vst.idx.msk $0xffff, v2  }
0x36: {  	s22 =	simm.s32 $0x11D;
	s26 =	simm.s32 $0x11E;
	s28 =	sand.u32 $0x7, s13;
	v39 =	vadd.s32 s29, v1;
	v9 =	vadd.s32 s6, v1;
	[tilespmem:v4+s8+$0x0] =	vst.idx.msk $0xffff, v5;
	v34 =	vld [tilespmem:s14+$0x200]  }
0x37: {  	p1 =	por $0x0, $0x0;
	s3 =	sshll.u32 s28, $0x4;
	s5 =	simm.s32 $0x2;
	v2 =	vadd.s32 s25, v1;
	v4 =	vadd.s32 s22, v1;
	v3 =	vadd.s32 s26, v1;
	v32 =	vld [tilespmem:s2+$0x200]  }
0x38: {  	_ =	sdelay $0x3  }
0x39: {  	s0 =	simm.s32 $0x5;
	[tilespmem:v39+s8+$0x0] =	vst.idx.msk $0xffff, v34  }
0x3a: {  	s1 =	simm.s32 $0x20;
	s19 =	simm.s32 $0x100;
	s4 =	simm.s32 $0x30;
	v6 =	vadd.s32 s0, v1;
	v5 =	vld [tilespmem:s14+$0x280]  }
0x3b: {  	s18 =	simm.s32 $0x220;
	s22 =	sand.u32 $0x60, s1;
	s0 =	sand.u32 $0x7FFFFC00, s19  }
0x3c: {  	s6 =	sand.u32 $0x3, s13;
	s20 =	sand.u32 $0x70, s4;
	s14 =	sor.u32 s22, s0;
	[tilespmem:v15+s8+$0x0] =	vst.idx.msk $0xffff, v32  }
0x3d: {  	v12 =	vadd.s32 s18, v1;
	s21 =	sshll.u32 s6, $0x5;
	v7 =	vld [tilespmem:s14+$0x0];
	[dreg:$0x11] =	wrdreg s20  }
0x3e: {  	s23 =	simm.s32 $0x330;
	s1 =	sor.u32 s20, s0;
	s4 =	sadd.s32 $0x0, s21;
	v13 =	vld [tilespmem:s2+$0x280]  }
0x3f: {  	s28 =	simm.s32 $0x6;
	v14 =	vadd.s32 s23, v1;
	s26 =	sor.u32 $0x300, s4;
	v15 =	vld [tilespmem:s1+$0x0];
	[tilespmem:v6+s8+$0x0] =	vst.idx.msk $0xffff, v5  }
0x40: {  	v6 =	vadd.s32 s28, v1;
	v5 =	vld [tilespmem:s26+$0x0];
	_ =	sdelay $0x1  }
0x41: {  	s3 =	sadd.s32 $0x10, s3;
	s29 =	simm.s32 $0x221;
	s2 =	rddreg [dreg:$0x3];
	[tilespmem:v12+s8+$0x0] =	vst.idx.msk $0xffff, v7  }
0x42: {  	s7 =	sor.u32 $0x300, s3;
	v12 =	vadd.s32 s29, v1;
	v7 =	vld [tilespmem:s14+$0x80];
	[tilespmem:v33+s8+$0x0] =	vst.idx.msk $0xffff, v13  }
0x43: {  	s9 =	simm.s32 $0x331;
	[tilespmem:v14+s8+$0x0] =	vst.idx.msk $0xffff, v15;
	v13 =	vld [tilespmem:s7+$0x0]  }
0x44: {  	s10 =	simm.s32 $0x7;
	s4 =	sor.u32 $0x380, s4;
	v14 =	vadd.s32 s9, v1;
	v15 =	vld [tilespmem:s1+$0x80];
	[tilespmem:v6+s8+$0x0] =	vst.idx.msk $0xffff, v5  }
0x45: {  	v6 =	vadd.s32 s10, v1;
	v5 =	vld [tilespmem:s4+$0x0];
	_ =	sdelay $0x1  }
0x46: {  	s11 =	simm.s32 $0x222;
	[tilespmem:v12+s8+$0x0] =	vst.idx.msk $0xffff, v7  }
0x47: {  	s3 =	sor.u32 $0x380, s3;
	v12 =	vadd.s32 s11, v1;
	v7 =	vld [tilespmem:s14+$0x100];
	[tilespmem:v28+s8+$0x0] =	vst.idx.msk $0xffff, v13  }
0x48: {  	s18 =	simm.s32 $0x332;
	s20 =	sadd.s32 $0x2400, s30;
	[tilespmem:v14+s8+$0x0] =	vst.idx.msk $0xffff, v15;
	v13 =	vld [tilespmem:s3+$0x0]  }
0x49: {  	s23 =	simm.s32 $0x8;
	s21 =	sor.u32 s31, s20;
	v14 =	vadd.s32 s18, v1;
	v15 =	vld [tilespmem:s1+$0x100];
	[tilespmem:v6+s8+$0x0] =	vst.idx.msk $0xffff, v5  }
0x4a: {  	v6 =	vadd.s32 s23, v1;
	v5 =	vld [tilespmem:s21+$0x0]  }
0x4b: {  	p1 =	por $0x1, $0x1  }
0x4c: {  	s6 =	sor.u32 s15, s20;
	s20 =	sadd.s32 $0x2480, s30;
	s28 =	simm.s32 $0x223;
	[tilespmem:v12+s8+$0x0] =	vst.idx.msk $0xffff, v7  }
0x4d: {  	p4 =	sgt.u32 s2, $0x4;
	s26 =	simm.s32 $0x33F;
	v16 =	vadd.s32 s28, v1;
	s29 =	simm.s32 $0x335;
	v7 =	vld [tilespmem:s14+$0x180];
	[tilespmem:v23+s8+$0x0] =	vst.idx.msk $0xffff, v13  }
0x4e: {  	s28 =	simm.s32 $0x33A;
	s9 =	simm.s32 $0x333;
	v33 =	vadd.s32 s29, v1;
	s29 =	simm.s32 $0x33B;
	[tilespmem:v14+s8+$0x0] =	vst.idx.msk $0xffff, v15;
	v13 =	vld [tilespmem:s6+$0x0]  }
0x4f: {  	v31 =	vadd.s32 s28, v1;
	s28 =	sand.u32 $0x7, s5;
	s18 =	sor.u32 s31, s20;
	s21 =	simm.s32 $0x9;
	v14 =	vadd.s32 s9, v1;
	v17 =	vld [tilespmem:s1+$0x180];
	[tilespmem:v6+s8+$0x0] =	vst.idx.msk $0xffff, v5  }
0x50: {  	v25 =	vadd.s32 s29, v1;
	s29 =	sadd.s32 $0x2500, s30;
	s10 =	simm.s32 $0x334;
	s11 =	simm.s32 $0x336;
	v20 =	vadd.s32 s21, v1;
	v19 =	vld [tilespmem:s18+$0x0]  }
.Ltmp3:
0x51: {  	s23 =	simm.s32 $0x338;
	v15 =	vadd.s32 s10, v1;
	s10 =	simm.s32 $0x33C;
	(pc) =	sbr.rel @!p4 .LBB2_5-.Ltmp3, $4  }
0x52: {  	s5 =	sor.u32 s15, s29;
	s4 =	simm.s32 $0x4;
	v28 =	vadd.s32 s11, v1;
	s11 =	simm.s32 $0x33D;
	v12 =	vadd.s32 s23, v1;
	v24 =	vadd.s32 s10, v1;
	[tilespmem:v16+s8+$0x0] =	vst.idx.msk $0xffff, v7  }
0x53: {  	s23 =	sor.u32 s15, s20;
	s6 =	simm.s32 $0x337;
	v5 =	vadd.s32 s26, v1;
	s26 =	simm.s32 $0x339;
	v7 =	vadd.s32 s11, v1;
	v34 =	vld [tilespmem:s14+$0x200];
	[tilespmem:v22+s8+$0x0] =	vst.idx.msk $0xffff, v13  }
0x54: {  	s3 =	sshll.u32 s28, $0x4;
	v23 =	vadd.s32 s6, v1;
	v18 =	vadd.s32 s26, v1;
	s18 =	simm.s32 $0x33E;
	s26 =	simm.s32 $0x224;
	[tilespmem:v14+s8+$0x0] =	vst.idx.msk $0xffff, v17;
	v26 =	vld [tilespmem:s23+$0x0]  }
0x55: {  	s10 =	simm.s32 $0xA;
	s11 =	sor.u32 s31, s29;
	v6 =	vadd.s32 s18, v1;
	v39 =	vadd.s32 s26, v1;
	s23 =	simm.s32 $0x110;
	v32 =	vld [tilespmem:s1+$0x200];
	[tilespmem:v20+s8+$0x0] =	vst.idx.msk $0xffff, v19  }
0x56: {  	[dreg:$0xb] =	wrdreg s12  }
0x57: {  	[dreg:$0xc] =	wrdreg s17  }
0x58: {  	[dreg:$0xd] =	wrdreg s24  }
0x59: {  	v14 =	vadd.s32 s10, v1;
	v13 =	vld [tilespmem:s11+$0x0]  }
0x5a: {  	s2 =	simm.s32 $0x50  }
0x5b: {  	s6 =	simm.s32 $0x40;
	s7 =	simm.s32 $0x225;
	s19 =	simm.s32 $0x200  }
0x5c: {  	s9 =	simm.s32 $0x1;
	s26 =	sand.u32 $0x60, s6;
	s17 =	sand.u32 $0x7FFFFC00, s19;
	[tilespmem:v39+s8+$0x0] =	vst.idx.msk $0xffff, v34  }
0x5d: {  	s12 =	simm.s32 $0x440;
	v17 =	vadd.s32 s7, v1;
	s7 =	sadd.s32 $0x2580, s30;
	v16 =	vld [tilespmem:s14+$0x280];
	s14 =	sor.u32 s26, s17  }
0x5e: {  	s21 =	simm.s32 $0xB;
	v20 =	vadd.s32 s12, v1;
	s24 =	sand.u32 $0x70, s2;
	s20 =	sor.u32 s31, s7;
	v19 =	vld [tilespmem:s14+$0x0];
	[tilespmem:v14+s8+$0x0] =	vst.idx.msk $0xffff, v13  }
0x5f: {  	s23 =	simm.s32 $0x550;
	s18 =	sand.u32 $0x3, s9;
	s2 =	sor.u32 s24, s17;
	v14 =	vadd.s32 s21, v1;
	v13 =	vld [tilespmem:s20+$0x0]  }
0x60: {  	v21 =	vadd.s32 s23, v1;
	s6 =	sshll.u32 s18, $0x5;
	v22 =	vld [tilespmem:s2+$0x0];
	[tilespmem:v15+s8+$0x0] =	vst.idx.msk $0xffff, v32  }
0x61: {  	s6 =	sadd.s32 $0x100, s6;
	[tilespmem:v9+s8+$0x0] =	vst.idx.msk $0xffff, v26;
	v15 =	vld [tilespmem:s1+$0x280]  }
0x62: {  	s28 =	simm.s32 $0x226;
	s25 =	sor.u32 $0x300, s6;
	[tilespmem:v17+s8+$0x0] =	vst.idx.msk $0xffff, v16;
	v17 =	vld [tilespmem:s5+$0x0]  }
0x63: {  	s11 =	simm.s32 $0x441;
	s9 =	sadd.s32 $0x2600, s30;
	s1 =	rddreg [dreg:$0x3];
	v16 =	vadd.s32 s28, v1;
	v9 =	vld [tilespmem:s25+$0x0];
	[tilespmem:v20+s8+$0x0] =	vst.idx.msk $0xffff, v19  }
0x64: {  	s12 =	sor.u32 s31, s9;
	s18 =	simm.s32 $0xC;
	v20 =	vadd.s32 s11, v1;
	v19 =	vld [tilespmem:s14+$0x80];
	[tilespmem:v14+s8+$0x0] =	vst.idx.msk $0xffff, v13  }
0x65: {  	s10 =	sadd.s32 $0x110, s3;
	s21 =	simm.s32 $0x551;
	[tilespmem:v21+s8+$0x0] =	vst.idx.msk $0xffff, v22;
	v14 =	vadd.s32 s18, v1;
	v13 =	vld [tilespmem:s12+$0x0]  }
0x66: {  	s20 =	sor.u32 $0x300, s10;
	v21 =	vadd.s32 s21, v1;
	v22 =	vld [tilespmem:s2+$0x80];
	[tilespmem:v33+s8+$0x0] =	vst.idx.msk $0xffff, v15  }
0x67: {  	s28 =	sor.u32 s15, s7;
	v15 =	vld [tilespmem:s20+$0x0];
	[tilespmem:v8+s8+$0x0] =	vst.idx.msk $0xffff, v17  }
0x68: {  	s23 =	sor.u32 $0x380, s6;
	s25 =	simm.s32 $0x227;
	[tilespmem:v16+s8+$0x0] =	vst.idx.msk $0xffff, v9;
	v16 =	vld [tilespmem:s28+$0x0]  }
0x69: {  	s3 =	sadd.s32 $0x2680, s30;
	s7 =	simm.s32 $0x442;
	v9 =	vadd.s32 s25, v1;
	v8 =	vld [tilespmem:s23+$0x0];
	[tilespmem:v20+s8+$0x0] =	vst.idx.msk $0xffff, v19  }
0x6a: {  	s11 =	sor.u32 s31, s3;
	s12 =	simm.s32 $0xD;
	v19 =	vadd.s32 s7, v1;
	v17 =	vld [tilespmem:s14+$0x100];
	[tilespmem:v14+s8+$0x0] =	vst.idx.msk $0xffff, v13  }
0x6b: {  	s21 =	simm.s32 $0x552;
	[tilespmem:v21+s8+$0x0] =	vst.idx.msk $0xffff, v22;
	v14 =	vadd.s32 s12, v1;
	v13 =	vld [tilespmem:s11+$0x0]  }
0x6c: {  	s20 =	sor.u32 $0x380, s10;
	v20 =	vadd.s32 s21, v1;
	v21 =	vld [tilespmem:s2+$0x100];
	[tilespmem:v28+s8+$0x0] =	vst.idx.msk $0xffff, v15  }
0x6d: {  	s29 =	simm.s32 $0x6;
	s9 =	sor.u32 s15, s9;
	s10 =	sadd.s32 $0x2400, s0;
	v15 =	vld [tilespmem:s20+$0x0];
	[tilespmem:v11+s8+$0x0] =	vst.idx.msk $0xffff, v16  }
0x6e: {  	s4 =	sand.u32 $0x7, s4;
	s28 =	simm.s32 $0x228;
	s23 =	sor.u32 s22, s10;
	[tilespmem:v9+s8+$0x0] =	vst.idx.msk $0xffff, v8;
	v11 =	vld [tilespmem:s9+$0x0]  }
0x6f: {  	p2 =	por $0x1, $0x1;
	s6 =	simm.s32 $0x553;
	v9 =	vadd.s32 s28, v1;
	v8 =	vld [tilespmem:s23+$0x0];
	[tilespmem:v19+s8+$0x0] =	vst.idx.msk $0xffff, v17;
	s23 =	sadd.s32 $0x2700, s30  }
0x70: {  	v26 =	vadd.s32 s6, v1;
	s6 =	simm.s32 $0x55C;
	s12 =	simm.s32 $0x443;
	v16 =	vld [tilespmem:s14+$0x180];
	s20 =	sor.u32 s31, s23;
	[tilespmem:v14+s8+$0x0] =	vst.idx.msk $0xffff, v13  }
0x71: {  	p4 =	sgt.u32 s1, $0x6;
	s28 =	simm.s32 $0xE;
	v17 =	vadd.s32 s12, v1;
	v14 =	vld [tilespmem:s20+$0x0];
	s20 =	rddreg [dreg:$0x11];
	[tilespmem:v20+s8+$0x0] =	vst.idx.msk $0xffff, v21  }
0x72: {  	s5 =	simm.s32 $0x554;
	s3 =	sor.u32 s15, s3;
	v19 =	vadd.s32 s28, v1;
	[tilespmem:v23+s8+$0x0] =	vst.idx.msk $0xffff, v15;
	s10 =	sor.u32 s20, s10;
	v27 =	vld [tilespmem:s2+$0x180]  }
0x73: {  	s25 =	simm.s32 $0x556;
	s21 =	simm.s32 $0x555;
	v20 =	vld [tilespmem:s10+$0x0];
	s10 =	sadd.s32 $0x2480, s0  }
0x74: {  	s18 =	simm.s32 $0x55F;
	v33 =	vadd.s32 s21, v1;
	v28 =	vadd.s32 s25, v1;
	s25 =	simm.s32 $0x229;
	[tilespmem:v9+s8+$0x0] =	vst.idx.msk $0xffff, v8;
	s21 =	sor.u32 s22, s10  }
0x75: {  	s7 =	simm.s32 $0x557;
	v30 =	vadd.s32 s25, v1;
	s11 =	sadd.s32 $0x2780, s30;
	s9 =	simm.s32 $0x558;
	[tilespmem:v10+s8+$0x0] =	vst.idx.msk $0xffff, v11;
	v29 =	vld [tilespmem:s21+$0x0]  }
0x76: {  	s25 =	sor.u32 s15, s11;
	s12 =	simm.s32 $0x559;
	s28 =	simm.s32 $0x55A;
	[tilespmem:v17+s8+$0x0] =	vst.idx.msk $0xffff, v16  }
0x77: {  	s30 =	simm.s32 $0xF;
	v15 =	vadd.s32 s5, v1;
	s5 =	simm.s32 $0x55B;
	v23 =	vadd.s32 s7, v1;
	s7 =	simm.s32 $0x55D;
	v13 =	vld [tilespmem:s3+$0x0];
	[tilespmem:v19+s8+$0x0] =	vst.idx.msk $0xffff, v14  }
.Ltmp4:
0x78: {  	v9 =	vadd.s32 s12, v1;
	s12 =	sor.u32 s15, s23;
	s23 =	sor.u32 s31, s11;
	v34 =	vld [tilespmem:s14+$0x200];
	[tilespmem:v26+s8+$0x0] =	vst.idx.msk $0xffff, v27;
	(pc) =	sbr.rel @!p4 .LBB2_7-.Ltmp4, $4  }
0x79: {  	v8 =	vadd.s32 s28, v1;
	s28 =	simm.s32 $0x444;
	s31 =	sadd.s32 $0x2500, s0;
	s3 =	sshll.u32 s4, $0x4;
	[tilespmem:v12+s8+$0x0] =	vst.idx.msk $0xffff, v20;
	v12 =	vld [tilespmem:s23+$0x0]  }
0x7a: {  	v22 =	vadd.s32 s9, v1;
	v21 =	vadd.s32 s7, v1;
	s15 =	smov.u32 s22;
	s11 =	sor.u32 s22, s31;
	s10 =	sor.u32 s20, s10;
	v32 =	vld [tilespmem:s2+$0x200];
	[tilespmem:v30+s8+$0x0] =	vst.idx.msk $0xffff, v29  }
0x7b: {  	v17 =	vadd.s32 s5, v1;
	v16 =	vadd.s32 s6, v1;
	v39 =	vadd.s32 s28, v1;
	s5 =	sor.u32 s20, s31;
	s21 =	simm.s32 $0x55E;
	v26 =	vld [tilespmem:s10+$0x0];
	[dreg:$0xf] =	wrdreg s25  }
0x7c: {  	v19 =	vadd.s32 s18, v1;
	v14 =	vadd.s32 s30, v1;
	v20 =	vadd.s32 s21, v1;
	s23 =	simm.s32 $0x210;
	s10 =	simm.s32 $0x22A;
	[dreg:$0x10] =	wrdreg s12  }
0x7d: {  	_ =	sdelay $0x1  }
0x7e: {  	[dreg:$0xe] =	wrdreg s16  }
0x7f: {  	s4 =	simm.s32 $0x70;
	s6 =	simm.s32 $0x60;
	s7 =	simm.s32 $0x445  }
0x80: {  	s19 =	simm.s32 $0x300;
	s18 =	simm.s32 $0x2;
	s9 =	sadd.s32 $0x2580, s0;
	[tilespmem:v39+s8+$0x0] =	vst.idx.msk $0xffff, v34  }
0x81: {  	v11 =	vadd.s32 s10, v1;
	s20 =	smov.u32 s15;
	v10 =	vld [tilespmem:s11+$0x0];
	[tilespmem:v4+s8+$0x0] =	vst.idx.msk $0xffff, v13;
	s1 =	sand.u32 $0x60, s6;
	s30 =	sand.u32 $0x7FFFFC00, s19  }
0x82: {  	v29 =	vadd.s32 s7, v1;
	[tilespmem:v14+s8+$0x0] =	vst.idx.msk $0xffff, v12;
	s7 =	sand.u32 $0x3, s18;
	s10 =	sor.u32 s15, s9;
	s15 =	sand.u32 $0x70, s4;
	v27 =	vld [tilespmem:s14+$0x280]  }
0x83: {  	v30 =	vld [tilespmem:s12+$0x0];
	[dreg:$0x4] =	wrdreg s1;
	s13 =	sor.u32 s1, s30;
	s1 =	simm.s32 $0x660  }
0x84: {  	s6 =	sshll.u32 s7, $0x5;
	s12 =	simm.s32 $0x770;
	s7 =	sor.u32 s15, s30;
	v58 =	vld [tilespmem:s13+$0x0];
	v35 =	vadd.s32 s1, v1;
	[tilespmem:v15+s8+$0x0] =	vst.idx.msk $0xffff, v32  }
0x85: {  	[tilespmem:v18+s8+$0x0] =	vst.idx.msk $0xffff, v26;
	v18 =	vadd.s32 s12, v1;
	v26 =	vld [tilespmem:s7+$0x0]  }
0x86: {  	s11 =	simm.s32 $0x22B;
	v15 =	vld [tilespmem:s2+$0x280];
	[tilespmem:v11+s8+$0x0] =	vst.idx.msk $0xffff, v10  }
0x87: {  	s14 =	sadd.s32 $0x200, s6;
	v11 =	vadd.s32 s11, v1;
	v10 =	vld [tilespmem:s10+$0x0];
	[tilespmem:v29+s8+$0x0] =	vst.idx.msk $0xffff, v27  }
0x88: {  	s21 =	simm.s32 $0x446;
	s16 =	sor.u32 $0x300, s14;
	[tilespmem:v3+s8+$0x0] =	vst.idx.msk $0xffff, v30;
	v30 =	vld [tilespmem:s5+$0x0]  }
0x89: {  	s22 =	simm.s32 $0x661;
	s6 =	rddreg [dreg:$0x3];
	v29 =	vadd.s32 s21, v1;
	v27 =	vld [tilespmem:s16+$0x0];
	[tilespmem:v35+s8+$0x0] =	vst.idx.msk $0xffff, v58  }
0x8a: {  	v60 =	vadd.s32 s22, v1;
	s10 =	sadd.s32 $0x210, s3;
	s3 =	simm.s32 $0x771;
	[tilespmem:v18+s8+$0x0] =	vst.idx.msk $0xffff, v26;
	v59 =	vld [tilespmem:s13+$0x80]  }
0x8b: {  	v18 =	vadd.s32 s3, v1;
	[tilespmem:v33+s8+$0x0] =	vst.idx.msk $0xffff, v15;
	v26 =	vld [tilespmem:s7+$0x80]  }
0x8c: {  	s28 =	sadd.s32 $0x2400, s17;
	s5 =	sadd.s32 $0x2600, s0;
	s21 =	sor.u32 $0x300, s10;
	[tilespmem:v11+s8+$0x0] =	vst.idx.msk $0xffff, v10  }
0x8d: {  	s31 =	simm.s32 $0x22E;
	s1 =	simm.s32 $0x22C;
	s23 =	sor.u32 s20, s5;
	v15 =	vld [tilespmem:s21+$0x0];
	[tilespmem:v31+s8+$0x0] =	vst.idx.msk $0xffff, v30  }
0x8e: {  	p3 =	por $0x1, $0x1;
	s12 =	simm.s32 $0x447;
	s11 =	sor.u32 $0x380, s14;
	v11 =	vadd.s32 s1, v1;
	v10 =	vld [tilespmem:s23+$0x0];
	[tilespmem:v29+s8+$0x0] =	vst.idx.msk $0xffff, v27  }
0x8f: {  	s22 =	simm.s32 $0x773;
	v63 =	vadd.s32 s31, v1;
	s16 =	simm.s32 $0x662;
	v29 =	vadd.s32 s12, v1;
	s14 =	rddreg [dreg:$0x11];
	v27 =	vld [tilespmem:s11+$0x0];
	[tilespmem:v60+s8+$0x0] =	vst.idx.msk $0xffff, v59  }
0x90: {  	s31 =	simm.s32 $0x77C;
	v36 =	vadd.s32 s22, v1;
	s22 =	simm.s32 $0x449;
	v61 =	vadd.s32 s16, v1;
	s12 =	simm.s32 $0x772;
	[tilespmem:v18+s8+$0x0] =	vst.idx.msk $0xffff, v26;
	v31 =	vld [tilespmem:s13+$0x100]  }
0x91: {  	s2 =	simm.s32 $0x8;
	p4 =	sgt.u32 s6, $0x8;
	v18 =	vadd.s32 s12, v1;
	s9 =	sor.u32 s14, s9;
	v26 =	vld [tilespmem:s7+$0x100]  }
0x92: {  	s3 =	sadd.s32 $0x2680, s0;
	s10 =	sor.u32 $0x380, s10;
	s16 =	sor.u32 s26, s28;
	[tilespmem:v28+s8+$0x0] =	vst.idx.msk $0xffff, v15;
	v30 =	vld [tilespmem:s9+$0x0]  }
0x93: {  	s28 =	sor.u32 s24, s28;
	s21 =	sor.u32 s20, s3;
	s1 =	simm.s32 $0x22D;
	v15 =	vld [tilespmem:s10+$0x0];
	[tilespmem:v11+s8+$0x0] =	vst.idx.msk $0xffff, v10  }
0x94: {  	s23 =	simm.s32 $0x77F;
	s11 =	simm.s32 $0x775;
	s12 =	simm.s32 $0x448;
	v11 =	vadd.s32 s1, v1;
	v10 =	vld [tilespmem:s21+$0x0];
	[tilespmem:v29+s8+$0x0] =	vst.idx.msk $0xffff, v27  }
0x95: {  	s5 =	sor.u32 s14, s5;
	s10 =	simm.s32 $0x776;
	v29 =	vadd.s32 s12, v1;
	s21 =	simm.s32 $0x663;
	v27 =	vld [tilespmem:s16+$0x0];
	[tilespmem:v61+s8+$0x0] =	vst.idx.msk $0xffff, v31  }
0x96: {  	s9 =	simm.s32 $0x774;
	v28 =	vadd.s32 s10, v1;
	s10 =	simm.s32 $0x44A;
	s1 =	simm.s32 $0x777;
	v62 =	vadd.s32 s21, v1;
	[tilespmem:v18+s8+$0x0] =	vst.idx.msk $0xffff, v26;
	v31 =	vld [tilespmem:s13+$0x180]  }
0x97: {  	s12 =	sadd.s32 $0x2700, s0;
	s0 =	sadd.s32 $0x2780, s0;
	s16 =	simm.s32 $0x779;
	[tilespmem:v25+s8+$0x0] =	vst.idx.msk $0xffff, v30;
	v18 =	vld [tilespmem:s7+$0x180]  }
0x98: {  	v42 =	vadd.s32 s22, v1;
	s21 =	simm.s32 $0x77B;
	s22 =	sor.u32 s14, s12;
	[tilespmem:v23+s8+$0x0] =	vst.idx.msk $0xffff, v15;
	v15 =	vadd.s32 s9, v1;
	s9 =	simm.s32 $0x77D;
	v30 =	vld [tilespmem:s5+$0x0]  }
0x99: {  	v23 =	vadd.s32 s1, v1;
	s1 =	simm.s32 $0x664;
	s5 =	sor.u32 s20, s12;
	v38 =	vld [tilespmem:s28+$0x0];
	s28 =	sadd.s32 $0x2480, s17;
	[tilespmem:v11+s8+$0x0] =	vst.idx.msk $0xffff, v10  }
0x9a: {  	v25 =	vadd.s32 s11, v1;
	v37 =	vadd.s32 s16, v1;
	s16 =	sor.u32 s20, s0;
	s12 =	simm.s32 $0x778;
	s11 =	sor.u32 s26, s28;
	v10 =	vld [tilespmem:s5+$0x0];
	[tilespmem:v29+s8+$0x0] =	vst.idx.msk $0xffff, v27  }
0x9b: {  	s20 =	sor.u32 s14, s0;
	s0 =	simm.s32 $0x77F;
	s6 =	sor.u32 s24, s28;
	v41 =	vld [tilespmem:s11+$0x0];
	[tilespmem:v62+s8+$0x0] =	vst.idx.msk $0xffff, v31  }
.Ltmp5:
0x9c: {  	s28 =	simm.s32 $0x77F;
	v11 =	vadd.s32 s21, v1;
	s21 =	sadd.s32 $0x2500, s17;
	[tilespmem:v36+s8+$0x0] =	vst.idx.msk $0xffff, v18;
	v34 =	vld [tilespmem:s13+$0x200];
	(pc) =	sbr.rel @!p4 .LBB2_9-.Ltmp5, $4  }
0x9d: {  	v40 =	vadd.s32 s9, v1;
	v39 =	vadd.s32 s1, v1;
	s5 =	simm.s32 $0x77E;
	s11 =	sor.u32 s14, s3;
	s14 =	sand.u32 $0x7, s29;
	[tilespmem:v24+s8+$0x0] =	vst.idx.msk $0xffff, v30;
	v32 =	vld [tilespmem:s7+$0x200]  }
0x9e: {  	v31 =	vadd.s32 s23, v1;
	s23 =	simm.s32 $0x310;
	v24 =	vadd.s32 s12, v1;
	s12 =	simm.s32 $0x22F;
	[tilespmem:v22+s8+$0x0] =	vst.idx.msk $0xffff, v38;
	v29 =	vld [tilespmem:s11+$0x0];
	s11 =	simm.s32 $0x77A  }
0x9f: {  	s3 =	sshll.u32 s14, $0x4;
	v22 =	vadd.s32 s5, v1;
	s5 =	sor.u32 s24, s21;
	v26 =	vld [tilespmem:s6+$0x0];
	v33 =	vadd.s32 s11, v1;
	s11 =	sor.u32 s26, s21;
	[tilespmem:v63+s8+$0x0] =	vst.idx.msk $0xffff, v10  }
0xa0: {  	v18 =	vmov v2;
	v30 =	vadd.s32 s12, v1;
	s21 =	smov.u32 s25;
	s25 =	simm.s32 $0x55F;
	v10 =	vadd.s32 s31, v1;
	s31 =	simm.s32 $0x300;
	v27 =	vld [tilespmem:s16+$0x0];
	[tilespmem:v42+s8+$0x0] =	vst.idx.msk $0xffff, v41  }
.LBB2_10:
0xa1: {  	_ =	sdelay $0x1  }
0xa2: {  	[tilespmem:v7+s8+$0x0] =	vst.idx.msk $0xffff, v29  }
0xa3: {  	v35 =	vld [tilespmem:s11+$0x0];
	v36 =	vadd.s32 s10, v1;
	[tilespmem:v39+s8+$0x0] =	vst.idx.msk $0xffff, v34  }
0xa4: {  	[dreg:$0x5] =	wrdreg s20;
	s9 =	sadd.s32 s3, s23;
	s4 =	sadd.s32 $0x20, s4;
	v29 =	vld [tilespmem:s22+$0x0];
	[tilespmem:v30+s8+$0x0] =	vst.idx.msk $0xffff, v27  }
0xa5: {  	s16 =	sadd.s32 $0xFFFFFEE6, s28;
	s31 =	sadd.s32 $0x100, s31;
	s1 =	sadd.s32 $0xFFFFFFF0, s4;
	v27 =	vld [tilespmem:s21+$0x0];
	[tilespmem:v9+s8+$0x0] =	vst.idx.msk $0xffff, v26  }
0xa6: {  	s0 =	sadd.s32 $0x220, s0;
	s3 =	sand.u32 $0x7FFFFC00, s31;
	v38 =	vadd.s32 s16, v1;
	s10 =	sand.u32 $0x60, s1;
	v30 =	vld [tilespmem:s13+$0x280];
	[tilespmem:v15+s8+$0x0] =	vst.idx.msk $0xffff, v32  }
0xa7: {  	s16 =	sadd.s32 $0xFFFFFEE1, s0;
	s20 =	sor.u32 s10, s3;
	s21 =	sadd.s32 $0x2580, s17;
	v15 =	vld [tilespmem:s5+$0x0]  }
0xa8: {  	s18 =	sadd.s32 $0x1, s18;
	s14 =	sadd.s32 $0xFFFFFEEC, s25;
	v61 =	vadd.s32 s16, v1;
	v26 =	vld [tilespmem:s20+$0x0];
	[tilespmem:v36+s8+$0x0] =	vst.idx.msk $0xffff, v35;
	s13 =	sor.u32 s26, s21  }
0xa9: {  	v62 =	vadd.s32 s14, v1;
	s22 =	sand.u32 $0x3, s18;
	s5 =	sand.u32 $0x70, s4;
	v35 =	vld [tilespmem:s13+$0x0];
	[tilespmem:v6+s8+$0x0] =	vst.idx.msk $0xffff, v29  }
0xaa: {  	s12 =	sadd.s32 $0xFFFFFFF1, s0;
	s1 =	sshll.u32 s22, $0x5;
	v29 =	vld [tilespmem:s7+$0x280];
	s7 =	sor.u32 s5, s3;
	[tilespmem:v18+s8+$0x0] =	vst.idx.msk $0xffff, v27  }
0xab: {  	s19 =	sadd.s32 s1, s19;
	v6 =	vmov v20;
	v20 =	vmov v22;
	v22 =	vadd.s32 s12, v1;
	v27 =	vld [tilespmem:s7+$0x0];
	[tilespmem:v38+s8+$0x0] =	vst.idx.msk $0xffff, v30  }
0xac: {  	s14 =	sadd.s32 $0xFFFFFEE7, s28;
	s13 =	sadd.s32 $0xFFFFFFF3, s0;
	s16 =	sor.u32 $0x300, s19;
	[tilespmem:v8+s8+$0x0] =	vst.idx.msk $0xffff, v15  }
0xad: {  	v48 =	vadd.s32 s14, v1;
	v30 =	vadd.s32 s13, v1;
	s13 =	sadd.s32 $0xFFFFFFF6, s0;
	v38 =	vld [tilespmem:s16+$0x0];
	[tilespmem:v61+s8+$0x0] =	vst.idx.msk $0xffff, v26  }
0xae: {  	s14 =	sadd.s32 $0xFFFFFEE2, s0;
	v49 =	vadd.s32 s13, v1;
	s16 =	sadd.s32 $0xFFFFFFF7, s0;
	s13 =	sadd.s32 $0x2600, s17;
	v50 =	vld [tilespmem:s20+$0x80];
	[tilespmem:v62+s8+$0x0] =	vst.idx.msk $0xffff, v35  }
0xaf: {  	v41 =	vadd.s32 s14, v1;
	v42 =	vadd.s32 s16, v1;
	s12 =	sor.u32 s26, s13;
	s16 =	sadd.s32 $0xFFFFFEED, s25;
	[tilespmem:v25+s8+$0x0] =	vst.idx.msk $0xffff, v29  }
0xb0: {  	s2 =	sadd.s32 $0x2, s2;
	s11 =	sor.u32 $0x300, s9;
	v52 =	vadd.s32 s16, v1;
	v29 =	vld [tilespmem:s12+$0x0];
	[tilespmem:v22+s8+$0x0] =	vst.idx.msk $0xffff, v27  }
0xb1: {  	s6 =	rddreg [dreg:$0x3];
	s14 =	sadd.s32 $0xFFFFFFFB, s0;
	s22 =	sadd.s32 $0xFFFFFFF2, s0;
	v27 =	vld [tilespmem:s11+$0x0]  }
0xb2: {  	p4 =	slt.u32 s2, s6;
	v63 =	vadd.s32 s22, v1;
	s22 =	sadd.s32 $0xFFFFFFF5, s0;
	v8 =	vmov v33;
	v33 =	vadd.s32 s14, v1;
	s14 =	sor.u32 $0x380, s19;
	v43 =	vld [tilespmem:s7+$0x80];
	[tilespmem:v48+s8+$0x0] =	vst.idx.msk $0xffff, v38  }
0xb3: {  	v15 =	vadd.s32 s22, v1;
	s22 =	sadd.s32 $0xFFFFFFF8, s0;
	s16 =	sadd.s32 $0xFFFFFEE8, s28;
	s11 =	sor.u32 s24, s21;
	v39 =	vld [tilespmem:s14+$0x0]  }
0xb4: {  	s6 =	smov.u32 s25;
	s19 =	sadd.s32 $0xFFFFFFFE, s0;
	v51 =	vadd.s32 s22, v1;
	s22 =	sadd.s32 $0xFFFFFFFA, s0;
	v45 =	vadd.s32 s16, v1;
	[tilespmem:v41+s8+$0x0] =	vst.idx.msk $0xffff, v50;
	v55 =	vld [tilespmem:s11+$0x0]  }
0xb5: {  	v7 =	vmovc v21;
	v21 =	vmovc v40;
	v9 =	vmov v37;
	v40 =	vadd.s32 s19, v1;
	s19 =	sadd.s32 $0x2680, s17;
	v37 =	vadd.s32 s22, v1;
	s22 =	sadd.s32 $0xFFFFFFFF, s0;
	s16 =	sadd.s32 $0xFFFFFEE3, s0;
	v46 =	vld [tilespmem:s20+$0x100];
	[tilespmem:v52+s8+$0x0] =	vst.idx.msk $0xffff, v29  }
0xb6: {  	s25 =	sadd.s32 $0xFFFFFEEE, s6;
	v22 =	vadd.s32 s22, v1;
	v47 =	vadd.s32 s16, v1;
	s22 =	sor.u32 s26, s19;
	[tilespmem:v28+s8+$0x0] =	vst.idx.msk $0xffff, v27  }
0xb7: {  	s9 =	sor.u32 $0x380, s9;
	s1 =	sadd.s32 $0xFFFFFFF4, s0;
	s21 =	sor.u32 s24, s13;
	v29 =	vadd.s32 s25, v1;
	v27 =	vld [tilespmem:s22+$0x0];
	[tilespmem:v63+s8+$0x0] =	vst.idx.msk $0xffff, v43  }
0xb8: {  	s13 =	sadd.s32 $0xFFFFFFFD, s0;
	s14 =	sadd.s32 $0x2400, s30;
	s22 =	rddreg [dreg:$0x4];
	v34 =	vld [tilespmem:s9+$0x0]  }
0xb9: {  	v26 =	vadd.s32 s1, v1;
	s1 =	sadd.s32 $0xFFFFFFF9, s0;
	v54 =	vadd.s32 s13, v1;
	s25 =	smov.u32 s28;
	[tilespmem:v45+s8+$0x0] =	vst.idx.msk $0xffff, v39;
	s13 =	sor.u32 s22, s14;
	v56 =	vld [tilespmem:s7+$0x100]  }
0xba: {  	s29 =	sadd.s32 $0x2, s29;
	v53 =	vadd.s32 s1, v1;
	s12 =	sadd.s32 $0xFFFFFFFC, s0;
	s16 =	sadd.s32 $0xFFFFFEE9, s25;
	v39 =	vld [tilespmem:s13+$0x0];
	[tilespmem:v17+s8+$0x0] =	vst.idx.msk $0xffff, v55  }
0xbb: {  	s23 =	sadd.s32 $0x100, s23;
	s1 =	smov.u32 s17;
	v44 =	vadd.s32 s12, v1;
	s12 =	sor.u32 s15, s14;
	v57 =	vadd.s32 s16, v1;
	[tilespmem:v47+s8+$0x0] =	vst.idx.msk $0xffff, v46;
	v41 =	vld [tilespmem:s21+$0x0]  }
0xbc: {  	s14 =	sadd.s32 $0x2700, s1;
	s9 =	smov.u32 s26;
	s13 =	sadd.s32 $0xFFFFFEE4, s0;
	v58 =	vld [tilespmem:s20+$0x180];
	[tilespmem:v29+s8+$0x0] =	vst.idx.msk $0xffff, v27  }
0xbd: {  	v60 =	vadd.s32 s0, v1;
	s17 =	smov.u32 s30;
	v59 =	vadd.s32 s13, v1;
	s16 =	sor.u32 s9, s14;
	s21 =	sadd.s32 $0xFFFFFEEF, s6;
	[tilespmem:v23+s8+$0x0] =	vst.idx.msk $0xffff, v34  }
0xbe: {  	v18 =	vmovc v5;
	v5 =	vmovc v19;
	v19 =	vmov v31;
	v31 =	vmov v60;
	s11 =	sor.u32 s24, s19;
	s19 =	smov.u32 s31;
	s30 =	smov.u32 s3;
	v60 =	vadd.s32 s21, v1;
	v27 =	vld [tilespmem:s16+$0x0];
	[tilespmem:v30+s8+$0x0] =	vst.idx.msk $0xffff, v56  }
0xbf: {  	s3 =	smov.u32 s24;
	s26 =	smov.u32 s22;
	s22 =	smov.u32 s10;
	v30 =	vld [tilespmem:s12+$0x0]  }
0xc0: {  	s28 =	smov.u32 s0;
	s10 =	sadd.s32 $0x2480, s17;
	[dreg:$0x4] =	wrdreg s22;
	[tilespmem:v57+s8+$0x0] =	vst.idx.msk $0xffff, v39;
	v61 =	vld [tilespmem:s7+$0x180]  }
0xc1: {  	s22 =	sor.u32 s24, s14;
	s14 =	sadd.s32 $0xFFFFFEEA, s25;
	s12 =	sor.u32 s26, s10;
	[tilespmem:v16+s8+$0x0] =	vst.idx.msk $0xffff, v41  }
0xc2: {  	s1 =	sadd.s32 $0x2780, s1;
	s13 =	smov.u32 s20;
	s24 =	smov.u32 s15;
	v63 =	vadd.s32 s14, v1;
	v62 =	vld [tilespmem:s12+$0x0];
	[tilespmem:v59+s8+$0x0] =	vst.idx.msk $0xffff, v58  }
.Ltmp6:
0xc3: {  	s15 =	smov.u32 s5;
	s16 =	rddreg [dreg:$0x5];
	v34 =	vld [tilespmem:s20+$0x200];
	[tilespmem:v60+s8+$0x0] =	vst.idx.msk $0xffff, v27;
	(pc) =	sbr.rel @p4 .LBB2_10-.Ltmp6, $4  }
0xc4: {  	s21 =	smov.u32 s16;
	s16 =	sadd.s32 $0xFFFFFEE5, s0;
	v29 =	vld [tilespmem:s11+$0x0];
	s12 =	sor.u32 s9, s1;
	[tilespmem:v24+s8+$0x0] =	vst.idx.msk $0xffff, v30  }
0xc5: {  	s6 =	sadd.s32 $0xFFFFFEF0, s6;
	v39 =	vadd.s32 s16, v1;
	s16 =	sadd.s32 $0x2500, s17;
	s10 =	sor.u32 s24, s10;
	v27 =	vld [tilespmem:s12+$0x0];
	[tilespmem:v26+s8+$0x0] =	vst.idx.msk $0xffff, v61  }
0xc6: {  	v25 =	vmovc v49;
	v28 =	vmov v42;
	v17 =	vmov v11;
	v11 =	vmov v44;
	s14 =	sand.u32 $0x7, s29;
	s5 =	sor.u32 s24, s16;
	s11 =	sor.u32 s26, s16;
	v26 =	vld [tilespmem:s10+$0x0]  }
0xc7: {  	v23 =	vmovc v51;
	v16 =	vmovc v10;
	v10 =	vmov v54;
	s20 =	sor.u32 s3, s1;
	s3 =	sshll.u32 s14, $0x4;
	v30 =	vadd.s32 s6, v1;
	v24 =	vmov v53;
	[tilespmem:v63+s8+$0x0] =	vst.idx.msk $0xffff, v62;
	v32 =	vld [tilespmem:s7+$0x200];
	s10 =	sadd.s32 $0xFFFFFEEB, s25  }
0xc8: {  	s12 =	rddreg [dreg:$0xb]  }
0xc9: {  	v35 =	vmov v7;
	v42 =	vmov v9;
	s4 =	smov.u32 s17;
	s17 =	rddreg [dreg:$0xc]  }
0xca: {  	v36 =	vmovc v6;
	v41 =	vmovc v5;
	v43 =	vmov v8;
	v38 =	vmov v21;
	v7 =	vmov v40;
	s2 =	smov.u32 s7;
	s7 =	smov.u32 s24;
	s24 =	rddreg [dreg:$0xd]  }
0xcb: {  	s14 =	smov.u32 s13;
	v9 =	vmovc v37;
	v40 =	vmovc v20;
	v6 =	vmov v22;
	v37 =	vmov v19;
	v5 =	vmov v31;
	s16 =	rddreg [dreg:$0xe]  }
0xcc: {  	s29 =	smov.u32 s26;
	v8 =	vmovc v33;
	v33 =	vmovc v25;
	v19 =	vmov v17;
	v17 =	vmov v16;
	v22 =	vmov v24;
	s31 =	rddreg [dreg:$0x4];
	s13 =	simm.s32 $0x0  }
.LBB2_12:
0xcd: {  	_ =	sdelay $0x3  }
0xce: {  	[tilespmem:v39+s8+$0x0] =	vst.idx.msk $0xffff, v34;
	s0 =	sadd.s32 $0xFFFFFEE6, s28  }
0xcf: {  	v16 =	vld [tilespmem:s14+$0x280];
	v20 =	vadd.s32 s0, v1;
	s0 =	sadd.s32 @p1 $0x1, s18  }
0xd0: {  	[tilespmem:v15+s8+$0x0] =	vst.idx.msk $0xffff, v32;
	s13 =	smov.u32 @p1 s0  }
0xd1: {  	v15 =	vld [tilespmem:s2+$0x280];
	s0 =	sand.u32 $0x3, s13  }
0xd2: {  	s0 =	sshll.u32 s0, $0x5  }
0xd3: {  	s0 =	sadd.s32 s0, s19  }
0xd4: {  	s19 =	sadd.s32 $0xFFFFFEE7, s28;
	[tilespmem:v20+s8+$0x0] =	vst.idx.msk $0xffff, v16;
	s1 =	sor.u32 $0x300, s0  }
0xd5: {  	s3 =	sadd.s32 s3, s23;
	v49 =	vadd.s32 s19, v1;
	v16 =	vld [tilespmem:s1+$0x0]  }
0xd6: {  	s26 =	sor.u32 $0x300, s3;
	[tilespmem:v33+s8+$0x0] =	vst.idx.msk $0xffff, v15  }
0xd7: {  	v15 =	vld [tilespmem:s26+$0x0];
	_ =	sdelay $0x2  }
0xd8: {  	s2 =	sadd.s32 $0xFFFFFEE8, s28;
	s0 =	sor.u32 $0x380, s0;
	[tilespmem:v49+s8+$0x0] =	vst.idx.msk $0xffff, v16  }
0xd9: {  	v50 =	vadd.s32 s2, v1;
	v16 =	vld [tilespmem:s0+$0x0]  }
0xda: {  	s6 =	sor.u32 $0x380, s3;
	[tilespmem:v28+s8+$0x0] =	vst.idx.msk $0xffff, v15  }
0xdb: {  	v15 =	vld [tilespmem:s6+$0x0];
	_ =	sdelay $0x1  }
0xdc: {  	s9 =	sadd.s32 $0x2400, s30  }
0xdd: {  	s14 =	sadd.s32 $0xFFFFFEE9, s28;
	s13 =	sor.u32 s31, s9;
	[tilespmem:v50+s8+$0x0] =	vst.idx.msk $0xffff, v16  }
0xde: {  	v51 =	vadd.s32 s14, v1;
	v16 =	vld [tilespmem:s13+$0x0]  }
0xdf: {  	s0 =	sor.u32 s15, s9;
	[tilespmem:v23+s8+$0x0] =	vst.idx.msk $0xffff, v15  }
0xe0: {  	v15 =	vld [tilespmem:s0+$0x0];
	_ =	sdelay $0x1  }
0xe1: {  	s18 =	sadd.s32 $0x2480, s30  }
0xe2: {  	s23 =	sadd.s32 $0xFFFFFEEA, s28;
	s19 =	sor.u32 s31, s18;
	[tilespmem:v51+s8+$0x0] =	vst.idx.msk $0xffff, v16  }
0xe3: {  	v52 =	vadd.s32 s23, v1;
	v16 =	vld [tilespmem:s19+$0x0]  }
0xe4: {  	s0 =	sor.u32 s15, s18;
	[tilespmem:v22+s8+$0x0] =	vst.idx.msk $0xffff, v15  }
0xe5: {  	v15 =	vld [tilespmem:s0+$0x0]  }
0xe6: {  	v21 =	vld @p1 [tilespmem:s11+$0x0];
	v22 =	vadd.s32 @p1 s10, v1  }
0xe7: {  	[tilespmem:v42+s8+$0x0] =	vst.idx.msk @p1 $0xffff, v26;
	s26 =	sadd.s32 $0x2500, s30  }
0xe8: {  	s3 =	sor.u32 s31, s26;
	v23 =	vld @p1 [tilespmem:s5+$0x0];
	s5 =	sadd.s32 $0xFFFFFEEB, s28;
	[tilespmem:v52+s8+$0x0] =	vst.idx.msk $0xffff, v16  }
0xe9: {  	v53 =	vadd.s32 s5, v1;
	v16 =	vld [tilespmem:s3+$0x0]  }
0xea: {  	s1 =	sadd.s32 @p1 $0x2580, s4;
	s0 =	sor.u32 s15, s26;
	[tilespmem:v9+s8+$0x0] =	vst.idx.msk $0xffff, v15  }
0xeb: {  	s2 =	sor.u32 @p1 s29, s1;
	[tilespmem:v22+s8+$0x0] =	vst.idx.msk @p1 $0xffff, v21;
	s3 =	sadd.s32 @p1 $0xFFFFFEEC, s25;
	v9 =	vld [tilespmem:s0+$0x0]  }
0xec: {  	v15 =	vld @p1 [tilespmem:s2+$0x0];
	v21 =	vadd.s32 @p1 s3, v1  }
0xed: {  	s6 =	sadd.s32 $0x2580, s30;
	[tilespmem:v43+s8+$0x0] =	vst.idx.msk @p1 $0xffff, v23;
	s0 =	sor.u32 @p1 s7, s1  }
0xee: {  	s9 =	sor.u32 s31, s6;
	s10 =	sadd.s32 $0xFFFFFEEC, s28;
	v22 =	vld @p1 [tilespmem:s0+$0x0];
	[tilespmem:v53+s8+$0x0] =	vst.idx.msk $0xffff, v16  }
0xef: {  	v54 =	vadd.s32 s10, v1;
	v16 =	vld [tilespmem:s9+$0x0]  }
0xf0: {  	s1 =	sor.u32 s15, s6;
	s0 =	sadd.s32 @p1 $0x2600, s4;
	[tilespmem:v8+s8+$0x0] =	vst.idx.msk $0xffff, v9  }
0xf1: {  	s3 =	sadd.s32 @p1 $0xFFFFFEED, s25;
	s2 =	sor.u32 @p1 s29, s0;
	[tilespmem:v21+s8+$0x0] =	vst.idx.msk @p1 $0xffff, v15;
	v8 =	vld [tilespmem:s1+$0x0]  }
0xf2: {  	v15 =	vadd.s32 @p1 s3, v1;
	v9 =	vld @p1 [tilespmem:s2+$0x0]  }
0xf3: {  	s11 =	sadd.s32 $0x2600, s30;
	s0 =	sor.u32 @p1 s7, s0;
	[tilespmem:v19+s8+$0x0] =	vst.idx.msk @p1 $0xffff, v22  }
0xf4: {  	s14 =	sadd.s32 $0xFFFFFEED, s28;
	s13 =	sor.u32 s31, s11;
	v19 =	vld @p1 [tilespmem:s0+$0x0];
	[tilespmem:v54+s8+$0x0] =	vst.idx.msk $0xffff, v16  }
0xf5: {  	v55 =	vadd.s32 s14, v1;
	v16 =	vld [tilespmem:s13+$0x0]  }
0xf6: {  	s1 =	sor.u32 s15, s11;
	s0 =	sadd.s32 @p1 $0x2680, s4;
	s2 =	smov.u32 @p1 s25;
	[tilespmem:v11+s8+$0x0] =	vst.idx.msk $0xffff, v8  }
0xf7: {  	s3 =	sor.u32 @p1 s29, s0;
	s5 =	sadd.s32 @p1 $0xFFFFFEEE, s2;
	[tilespmem:v15+s8+$0x0] =	vst.idx.msk @p1 $0xffff, v9;
	v8 =	vld [tilespmem:s1+$0x0]  }
0xf8: {  	v11 =	vadd.s32 @p1 s5, v1;
	v9 =	vld @p1 [tilespmem:s3+$0x0]  }
0xf9: {  	s18 =	sadd.s32 $0x2680, s30;
	s0 =	sor.u32 @p1 s7, s0;
	[tilespmem:v17+s8+$0x0] =	vst.idx.msk @p1 $0xffff, v19  }
0xfa: {  	s23 =	sadd.s32 $0xFFFFFEEE, s28;
	s19 =	sor.u32 s31, s18;
	v15 =	vld @p1 [tilespmem:s0+$0x0];
	[tilespmem:v55+s8+$0x0] =	vst.idx.msk $0xffff, v16  }
0xfb: {  	v57 =	vadd.s32 s23, v1;
	v16 =	vmov @p1 v38;
	v56 =	vld [tilespmem:s19+$0x0]  }
0xfc: {  	s1 =	sor.u32 s15, s18;
	s0 =	smov.u32 @p1 s29;
	s3 =	sadd.s32 @p1 $0x2700, s4;
	[tilespmem:v10+s8+$0x0] =	vst.idx.msk $0xffff, v8;
	v4 =	vpsel p1, v16, v4  }
0xfd: {  	s6 =	sadd.s32 @p1 $0xFFFFFEEF, s2;
	s5 =	sor.u32 @p1 s0, s3;
	[tilespmem:v11+s8+$0x0] =	vst.idx.msk @p1 $0xffff, v9;
	v8 =	vld [tilespmem:s1+$0x0]  }
0xfe: {  	v10 =	vadd.s32 @p1 s6, v1;
	v9 =	vld @p1 [tilespmem:s5+$0x0]  }
0xff: {  	[tilespmem:v35+s8+$0x0] =	vst.idx.msk @p2 $0xffff, v29  }
0x100: {  	s25 =	sadd.s32 $0x2700, s30;
	v11 =	vld @p2 [tilespmem:s22+$0x0];
	v13 =	vpsel p1, v15, v13;
	[tilespmem:v57+s8+$0x0] =	vst.idx.msk $0xffff, v56  }
0x101: {  	s26 =	sor.u32 s31, s25;
	s29 =	sadd.s32 $0xFFFFFEEF, s28;
	s9 =	rddreg [dreg:$0x10];
	[tilespmem:v4+s8+$0x0] =	vst.idx.msk @p1 $0xffff, v13  }
0x102: {  	s3 =	sor.u32 @p1 s7, s3;
	v58 =	vadd.s32 s29, v1;
	s1 =	sor.u32 s15, s25;
	v4 =	vld [tilespmem:s26+$0x0];
	[tilespmem:v7+s8+$0x0] =	vst.idx.msk $0xffff, v8  }
0x103: {  	v15 =	vmov @p1 v40;
	[tilespmem:v10+s8+$0x0] =	vst.idx.msk @p1 $0xffff, v9;
	s9 =	smov.u32 @p1 s3;
	v7 =	vld [tilespmem:s1+$0x0]  }
0x104: {  	v3 =	vpsel p1, v15, v3;
	[tilespmem:v30+s8+$0x0] =	vst.idx.msk @p2 $0xffff, v27;
	s3 =	sadd.s32 @p1 $0x2780, s4;
	v15 =	vld @p1 [tilespmem:s9+$0x0]  }
0x105: {  	s2 =	sadd.s32 @p1 $0xFFFFFEF0, s2;
	v16 =	vld @p3 [tilespmem:s21+$0x0];
	[tilespmem:v36+s8+$0x0] =	vst.idx.msk @p2 $0xffff, v11;
	s0 =	sor.u32 @p1 s0, s3  }
0x106: {  	v9 =	vadd.s32 @p1 s2, v1;
	s4 =	smov.u32 @p1 s7;
	s1 =	smov.u32 @p2 s20;
	s2 =	rddreg [dreg:$0xf];
	v8 =	vld @p1 [tilespmem:s0+$0x0]  }
0x107: {  	v10 =	vmov @p2 v41;
	v11 =	vmov @p1 v37;
	v9 =	vpsel p1, v9, v14;
	s7 =	sadd.s32 $0x2780, s30;
	s3 =	sor.u32 @p1 s4, s3;
	s0 =	smov.u32 @p2 s1;
	[tilespmem:v58+s8+$0x0] =	vst.idx.msk $0xffff, v4  }
0x108: {  	s10 =	sadd.s32 $0xFFFFFEF0, s28;
	v10 =	vpsel p2, v10, v0;
	v2 =	vpsel p1, v11, v2;
	s9 =	sor.u32 s31, s7;
	s2 =	smov.u32 @p1 s3;
	v11 =	vld @p2 [tilespmem:s0+$0x0];
	[tilespmem:v6+s8+$0x0] =	vst.idx.msk $0xffff, v7  }
0x109: {  	s1 =	sor.u32 s15, s7;
	s0 =	smov.u32 @p1 s2;
	v4 =	vadd.s32 s10, v1;
	[tilespmem:v3+s8+$0x0] =	vst.idx.msk @p1 $0xffff, v15;
	v3 =	vld [tilespmem:s9+$0x0]  }
0x10a: {  	s0 =	smov.u32 @p1 s0;
	v7 =	vld [tilespmem:s1+$0x0]  }
0x10b: {  	s18 =	simm.s32 $0x33;
	[tilespmem:v18+s8+$0x0] =	vst.idx.msk @p3 $0xffff, v16;
	v2 =	vpsel p1, v2, v0;
	v13 =	vld @p1 [tilespmem:s0+$0x0];
	v6 =	vpsel p1, v8, v12  }
0x10c: {  	s20 =	simm.s32 $0x0;
	[tilespmem:v9+s8+$0x0] =	vst.idx.msk @p1 $0xffff, v6;
	v6 =	vadd.s32 s18, v0  }
0x10d: {  	s21 =	simm.s32 $0x55;
	v8 =	vor.u32 s20, v0;
	[tilespmem:v10+s8+$0x0] =	vst.idx.msk @p2 $0xffff, v11  }
0x10e: {  	s22 =	simm.s32 $0x66;
	v9 =	vadd.s32 s21, v0;
	[tilespmem:v4+s8+$0x0] =	vst.idx.msk $0xffff, v3  }
0x10f: {  	s14 =	simm.s32 $0x11;
	v10 =	vadd.s32 s22, v0;
	[tilespmem:v5+s8+$0x0] =	vst.idx.msk $0xffff, v7  }
0x110: {  	s13 =	simm.s32 $0xEE;
	v4 =	vadd.s32 s14, v0;
	[tilespmem:v2+s8+$0x0] =	vst.idx.msk @p1 $0xffff, v13  }
0x111: {  	s15 =	simm.s32 $0x22;
	v3 =	vadd.s32 s13, v0;
	v6 =	vld.idx.msk [tilespmem:v6+s8+$0x0], $0xffff  }
0x112: {  	s19 =	simm.s32 $0x44;
	v5 =	vadd.s32 s15, v0;
	v16 =	vld.idx.msk [tilespmem:v8+s8+$0x0], $0xffff  }
0x113: {  	s23 =	simm.s32 $0x77;
	v7 =	vadd.s32 s19, v0;
	v11 =	vld.idx.msk [tilespmem:v9+s8+$0x0], $0xffff  }
0x114: {  	v59 =	vadd.s32 s23, v0;
	s26 =	simm.s32 $0x99;
	v10 =	vld.idx.msk [tilespmem:v10+s8+$0x0], $0xffff  }
0x115: {  	s25 =	simm.s32 $0x88;
	v62 =	vadd.s32 s26, v0;
	v4 =	vld.idx.msk [tilespmem:v4+s8+$0x0], $0xffff  }
0x116: {  	s11 =	simm.s32 $0xFF;
	v60 =	vadd.s32 s25, v0;
	v3 =	vld.idx.msk [tilespmem:v3+s8+$0x0], $0xffff  }
0x117: {  	s28 =	simm.s32 $0xAA;
	s0 =	simm.s32 $0x9580;
	v2 =	vadd.s32 s11, v0;
	v5 =	vld.idx.msk [tilespmem:v5+s8+$0x0], $0xffff  }
0x118: {  	v63 =	vadd.s32 s28, v0;
	s29 =	simm.s32 $0xBB;
	p1 =	sgt.u32 s16, $0x10;
	v61 =	vld.idx.msk [tilespmem:v7+s8+$0x0], $0xffff;
	[tilespmem:s0+$0xFFFFFFB0] =	vst v6  }
.Ltmp7:
0x119: {  	s30 =	simm.s32 $0xCC;
	v9 =	vld.idx.msk [tilespmem:v59+s8+$0x0], $0xffff;
	v6 =	vadd.s32 s29, v0;
	[tilespmem:s0+$0xFFFFFF80] =	vst v16;
	(pc) =	sbr.rel @!p1 .LBB2_14-.Ltmp7, $4  }
0x11a: {  	s31 =	simm.s32 $0xDD;
	v8 =	vld.idx.msk [tilespmem:v62+s8+$0x0], $0xffff;
	[tilespmem:s0+$0xFFFFFF90] =	vst v4;
	v4 =	vadd.s32 s30, v0  }
0x11b: {  	v7 =	vld.idx.msk [tilespmem:v60+s8+$0x0], $0xffff;
	[tilespmem:s0+$0x60] =	vst v3;
	v3 =	vadd.s32 s31, v0  }
0x11c: {  	v2 =	vld.idx.msk [tilespmem:v2+s8+$0x0], $0xffff;
	[tilespmem:s0+$0xFFFFFFA0] =	vst v5  }
0x11d: {  	s2 =	simm.s32 $0x20F;
	s1 =	simm.s32 $0x10;
	[tilespmem:s0+$0xFFFFFFC0] =	vst v61;
	v5 =	vld.idx.msk [tilespmem:v63+s8+$0x0], $0xffff  }
.LBB2_13:
0x11e: {  	s3 =	sadd.s32 $0xFFFFFF12, s2;
	s4 =	sadd.s32 $0xFFFFFFEF, s2;
	v12 =	vadd.s32 s2, v0;
	s1 =	sadd.s32 $0x10, s1;
	[tilespmem:s0+$0xFFFFFFD0] =	vst v11;
	v11 =	vld.idx.msk [tilespmem:v6+s8+$0x0], $0xffff  }
0x11f: {  	s5 =	sadd.s32 $0xFFFFFF34, s2;
	v13 =	vadd.s32 s3, v0;
	s3 =	sadd.s32 $0xFFFFFF23, s2;
	v14 =	vadd.s32 s4, v0;
	p1 =	slt.u32 s1, s16;
	[tilespmem:s0+$0xFFFFFFE0] =	vst v10;
	v10 =	vld.idx.msk [tilespmem:v4+s8+$0x0], $0xffff  }
0x120: {  	v16 =	vadd.s32 s5, v0;
	s4 =	sadd.s32 $0xFFFFFF56, s2;
	s5 =	sadd.s32 $0xFFFFFF67, s2;
	v15 =	vadd.s32 s3, v0;
	s3 =	sadd.s32 $0xFFFFFF45, s2;
	[tilespmem:s0+$0xFFFFFFF0] =	vst v9;
	v9 =	vld.idx.msk [tilespmem:v3+s8+$0x0], $0xffff  }
0x121: {  	v18 =	vadd.s32 s4, v0;
	v19 =	vadd.s32 s5, v0;
	s4 =	sadd.s32 $0xFFFFFF89, s2;
	s5 =	sadd.s32 $0xFFFFFF9A, s2;
	v17 =	vadd.s32 s3, v0;
	s3 =	sadd.s32 $0xFFFFFF78, s2;
	[tilespmem:s0+$0x0] =	vst v7  }
0x122: {  	v20 =	vadd.s32 s4, v0;
	v21 =	vadd.s32 s5, v0;
	s4 =	sadd.s32 $0xFFFFFFBC, s2;
	s5 =	sadd.s32 $0xFFFFFFCD, s2;
	v7 =	vadd.s32 s3, v0;
	s3 =	sadd.s32 $0xFFFFFFAB, s2;
	[tilespmem:s0+$0x10] =	vst v8  }
0x123: {  	s6 =	sadd.s32 $0xFFFFFF01, s2;
	v6 =	vadd.s32 s4, v0;
	v4 =	vadd.s32 s5, v0;
	v22 =	vadd.s32 s3, v0;
	s3 =	sadd.s32 $0xFFFFFFDE, s2;
	v8 =	vld.idx.msk [tilespmem:v12+s8+$0x0], $0xffff  }
0x124: {  	v12 =	vor.u32 s6, v0;
	v3 =	vadd.s32 s3, v0;
	v14 =	vld.idx.msk [tilespmem:v14+s8+$0x0], $0xffff;
	[tilespmem:s0+$0x20] =	vst v5  }
0x125: {  	v5 =	vld.idx.msk [tilespmem:v13+s8+$0x0], $0xffff;
	[tilespmem:s0+$0x30] =	vst v11  }
0x126: {  	v13 =	vld.idx.msk [tilespmem:v15+s8+$0x0], $0xffff;
	[tilespmem:s0+$0x40] =	vst v10  }
0x127: {  	v15 =	vld.idx.msk [tilespmem:v16+s8+$0x0], $0xffff;
	[tilespmem:s0+$0x50] =	vst v9  }
0x128: {  	v16 =	vld.idx.msk [tilespmem:v17+s8+$0x0], $0xffff;
	[tilespmem:s0+$0x70] =	vst v2  }
0x129: {  	s0 =	sadd.s32 $0x100, s0;
	v2 =	vmov v8;
	v12 =	vld.idx.msk [tilespmem:v12+s8+$0x0], $0xffff  }
0x12a: {  	v11 =	vld.idx.msk [tilespmem:v18+s8+$0x0], $0xffff;
	[tilespmem:s0+$0x60] =	vst v14  }
.Ltmp8:
0x12b: {  	[tilespmem:s0+$0xFFFFFF90] =	vst v5;
	v10 =	vld.idx.msk [tilespmem:v19+s8+$0x0], $0xffff;
	(pc) =	sbr.rel @p1 .LBB2_13-.Ltmp8, $4  }
0x12c: {  	[tilespmem:s0+$0xFFFFFFA0] =	vst v13;
	v9 =	vld.idx.msk [tilespmem:v7+s8+$0x0], $0xffff  }
0x12d: {  	[tilespmem:s0+$0xFFFFFFB0] =	vst v15;
	v7 =	vld.idx.msk [tilespmem:v20+s8+$0x0], $0xffff  }
0x12e: {  	[tilespmem:s0+$0xFFFFFFC0] =	vst v16;
	v8 =	vld.idx.msk [tilespmem:v21+s8+$0x0], $0xffff  }
0x12f: {  	s2 =	sadd.s32 $0x110, s2;
	[tilespmem:s0+$0xFFFFFF80] =	vst v12;
	v5 =	vld.idx.msk [tilespmem:v22+s8+$0x0], $0xffff  }
.LBB2_14:
0x130: {  	_ =	sdelay $0x1  }
0x131: {  	[tilespmem:s0+$0xFFFFFFD0] =	vst v11  }
0x132: {  	[tilespmem:s0+$0xFFFFFFE0] =	vst v10  }
0x133: {  	v6 =	vld.idx.msk [tilespmem:v6+s8+$0x0], $0xffff;
	[tilespmem:s0+$0xFFFFFFF0] =	vst v9  }
0x134: {  	v4 =	vld.idx.msk [tilespmem:v4+s8+$0x0], $0xffff;
	[tilespmem:s0+$0x0] =	vst v7  }
0x135: {  	v3 =	vld.idx.msk [tilespmem:v3+s8+$0x0], $0xffff;
	[tilespmem:s0+$0x10] =	vst v8  }
0x136: {  	[tilespmem:s0+$0x70] =	vst v2  }
0x137: {  	[tilespmem:s0+$0x20] =	vst v5  }
0x138: {  	s30 =	smul.u32 $0x30D8, s17;
	s1 =	sshrl.u32 s24, $0x3;
	[tilespmem:s0+$0x30] =	vst v6  }
0x139: {  	s1 =	simm.s32 @p0 $0x3050;
	[tilespmem:s0+$0x40] =	vst v4  }
0x13a: {  	[tilespmem:s0+$0x50] =	vst v3;
	s0 =	sadd.s32 s30, s1  }
0x13b: {  	s0 =	sshll.u32 s0, $0x4  }
0x13c: {  	s31 =	rddreg [dreg:$0x8];
	s0 =	sand.u32 $0x1FFFFF80, s0  }
0x13d: {  	s2 =	simm.s32 @p0 $0x9500;
	s1 =	simm.s32 @p0 $0x0;
	s0 =	sadd.s32 s31, s0  }
0x13e: {  	[hbm4b:s0+s1] =	stream.linear.scatter @p0 [tilespmem:s2], [sflag:$0x3], $0x4400, $0x38;
	[tilespmem:$0xDD00] =	vst v63  }
0x13f: {  	s1 =	simm.s32 @p0 $0x3  }
0x140: {  	_ =	swait.ge @p0 [sflag:s1], $0x4400  }
0x141: {  	[sflag:s1] =	ssyncset.done @p0 $0x0  }
0x142: {  	s2 =	simm.s32 @!p0 $0x9500;
	[sflag:s1] =	ssyncadd.s32 @p0 $0xFFFFBC00;
	s1 =	simm.s32 @!p0 $0x0  }
0x143: {  	[hbm4b:s0+s1] =	stream.linear.scatter @!p0 [tilespmem:s2], [sflag:$0x2], $0x4000, $0x38;
	[tilespmem:$0xDD00] =	vst v63  }
0x144: {  	s0 =	simm.s32 @!p0 $0x2  }
0x145: {  	_ =	swait.ge @!p0 [sflag:s0], $0x4000  }
0x146: {  	s12 =	sadd.s32 $0x1, s12;
	[sflag:s0] =	ssyncset.done @!p0 $0x0  }
0x147: {  	[sflag:s0] =	ssyncadd.s32 @!p0 $0xFFFFC000;
	p0 =	sne.s32 s12, $0x50  }
.Ltmp9:
0x148: {  	_ = 	snop;
	(pc) =	sbr.rel @p0 .LBB2_2-.Ltmp9, $4  }
.Ltmp10:
0x149: {  	_ = 	snop;
	(pc) =	sbr.rel @!p0 .LBB2_15-.Ltmp10, $4  }
0x14a: {  	_ = 	snop  }
0x14b: {  	_ = 	snop  }
0x14c: {  	_ = 	snop  }
0x14d: {  	_ = 	snop  }
.LBB2_3:
.Ltmp11:
0x14e: {  	(pc) =	sbr.rel .LBB2_12-.Ltmp11, $3  }
0x14f: {  	_ =	sdelay $0x1  }
0x150: {  	_ = 	snop  }
0x151: {  	v7 =	vmov v4;
	v6 =	vmov v3;
	v5 =	vmov v2;
	s28 =	simm.s32 $0x11F;
	s18 =	simm.s32 $0x0;
	s19 =	simm.s32 $0x0  }
.LBB2_5:
.Ltmp12:
0x152: {  	(pc) =	sbr.rel .LBB2_12-.Ltmp12, $4  }
0x153: {  	_ = 	snop  }
0x154: {  	v38 =	vmov v4;
	v42 =	vmov v9;
	s4 =	smov.u32 s30;
	s29 =	smov.u32 s31;
	s7 =	smov.u32 s15  }
0x155: {  	v40 =	vmovc v3;
	v37 =	vmovc v2;
	v43 =	vmov v8;
	v19 =	vmov v11;
	v17 =	vmov v10;
	s31 =	smov.u32 s22;
	s28 =	simm.s32 $0x33F;
	s30 =	smov.u32 s0  }
0x156: {  	s18 =	simm.s32 $0x0;
	v9 =	vmovc v18;
	s2 =	smov.u32 s1;
	v8 =	vmovc v31;
	s15 =	rddreg [dreg:$0x11];
	v11 =	vmov v25;
	v10 =	vmov v24;
	v22 =	vmov v12  }
.LBB2_7:
0x157: {  	s22 =	smov.u32 s12  }
.Ltmp13:
0x158: {  	s28 =	simm.s32 $0x55F;
	s4 =	smov.u32 s0;
	(pc) =	sbr.rel .LBB2_12-.Ltmp13, $4  }
0x159: {  	v38 =	vmov v7;
	v40 =	vmov v6;
	v37 =	vmov v5;
	s29 =	smov.u32 s15;
	s7 =	rddreg [dreg:$0x11];
	s30 =	smov.u32 s17  }
0x15a: {  	v29 =	vmovc v13;
	v35 =	vmovc v4;
	v7 =	vmov v21;
	v30 =	vmov v14;
	v42 =	vmov v18;
	s20 =	smov.u32 s25;
	s15 =	smov.u32 s24;
	s24 =	rddreg [dreg:$0xd]  }
0x15b: {  	v36 =	vmovc v3;
	v6 =	vmovc v20;
	v41 =	vmov v2;
	v5 =	vmov v19;
	v43 =	vmov v31;
	s25 =	simm.s32 $0x33F;
	s31 =	smov.u32 s26;
	s17 =	rddreg [dreg:$0xc]  }
0x15c: {  	v19 =	vmovc v25;
	v11 =	vmovc v17;
	v17 =	vmov v24;
	v10 =	vmov v16;
	s18 =	simm.s32 $0x1;
	s12 =	rddreg [dreg:$0xb];
	v27 =	vmov v12;
	s20 =	smov.u32 s20  }
.LBB2_9:
0x15d: {  	s21 =	rddreg [dreg:$0xf]  }
0x15e: {  	s12 =	rddreg [dreg:$0xb]  }
.Ltmp14:
0x15f: {  	s4 =	smov.u32 s17;
	s17 =	rddreg [dreg:$0xc];
	(pc) =	sbr.rel .LBB2_12-.Ltmp14, $4  }
0x160: {  	v35 =	vmov v7;
	v42 =	vmov v9;
	v36 =	vmov v6;
	s2 =	smov.u32 s7;
	s7 =	smov.u32 s24;
	s24 =	rddreg [dreg:$0xd]  }
0x161: {  	s28 =	simm.s32 $0x77F;
	v41 =	vmovc v5;
	v43 =	vmovc v8;
	v38 =	vmov v21;
	v7 =	vmov v40;
	v9 =	vmov v37;
	s16 =	rddreg [dreg:$0xe]  }
0x162: {  	s14 =	smov.u32 s13;
	s29 =	smov.u32 s26;
	v40 =	vmovc v20;
	v6 =	vmovc v22;
	v18 =	vmov v2;
	v37 =	vmov v19;
	v5 =	vmov v31;
	s31 =	rddreg [dreg:$0x4]  }
0x163: {  	v8 =	vmovc v33;
	v33 =	vmovc v25;
	v19 =	vmov v17;
	v17 =	vmov v16;
	v22 =	vmov v24;
	s13 =	simm.s32 $0x0;
	s18 =	simm.s32 $0x2;
	s25 =	simm.s32 $0x55F  }
.LBB2_16:
0x164: {  	_ =	sfence.sel $0x180000  }
0x165: {  	[bflag:$0x0] =	sbarrier.arrive $0xFFFF  }
0x166: {  	_ =	strace $0x90000047  }
0x167: {  	s0 =	stileid.u32;
	[bflag:$0x2] =	sbarrier.arrive $0xFFFF  }
0x168: {  	p0 =	sne.s32 s0, $0x0;
	s0 =	rddreg [dreg:$0x2]  }
0x169: {  	s0 =	sadd.s32 @!p0 $0x100000, s0  }
0x16a: {  	[sflag:s0] =	ssyncadd.tile.s32 @!p0 $0x1;
	_ =	shalt  }
.Lfunc_end2:
_tile_overlayer_lowered:
.L_overlay_start_2:
0x16b: {  	(tag) =	ssettag $0x2  }
0x16c: {  	s0 =	rddreg [dreg:$0x0];
	s2 =	stileid.u32  }
0x16d: {  	s1 =	rddreg [dreg:$0x1];
	p0 =	sne.s32 s2, $0x0  }
0x16e: {  	s3 =	rddreg [dreg:$0x2];
	[bflag:$0x3] =	sbarrier.arrive $0xFFFF;
	s2 =	simm.s32 @!p0 $0x1C02  }
0x16f: {  	[timem:s3], [sflag:s2] =	dma.local @!p0 [hbm:s0], s1  }
0x170: {  	s0 =	simm.s32 @!p0 $0x2  }
0x171: {  	_ =	swait.ge @!p0 [sflag:s0], s1  }
0x172: {  	s1 =	ssub.s32 @!p0 $0x0, s1;
	[sflag:s0] =	ssyncset.done @!p0 $0x0  }
0x173: {  	[sflag:s0] =	ssyncadd.s32 @!p0 s1  }
0x174: {  	[bflag:$0x3] =	sbarrier.arrive $0xFFFF  }
0x175: {  	_ =	shalt  }

// kernel: kernel.8.cloned.1.call-start
scs
__scs_entry_jumppad:
0x0: {  	(pc) =	sbr.rel $0x88, $3  }
0x1: {  	(tag) =	ssettag $0x0;
	lr =	simm.s32 $0x1  }
0x2: {  	[smem:$0x3F9E] =	sst lr;
	_ =	strace $0xD0000000  }
0x3: {  	_ = 	snop  }
0x4: {  	_ = 	snop  }
0x5: {  	_ = 	snop  }
0x6: {  	_ = 	snop  }
0x7: {  	_ = 	snop  }
__scs_overlays_trampoline_lowered:
0x8: {  	[smem:$0x3FAD] =	sst s0  }
0x9: {  	[smem:$0x3FAE] =	sst s1  }
0xa: {  	[smem:$0x3FAF] =	sst s2  }
0xb: {  	[smem:$0x3FB0] =	sst s3  }
0xc: {  	[smem:$0x3FB1] =	sst s4  }
0xd: {  	[smem:$0x3FB2] =	sst s5  }
0xe: {  	[smem:$0x3FB3] =	sst s6  }
0xf: {  	[smem:$0x3FB4] =	sst s7  }
0x10: {  	[smem:$0x3FB5] =	sst s8  }
0x11: {  	[smem:$0x3FB6] =	sst s9;
	s0 =	simm.s32 @!p0 $0x0  }
0x12: {  	s1 =	sld [smem:$0x3F9C];
	s0 =	simm.s32 @p0 $0x1  }
0x13: {  	[smem:$0x3FB7] =	sst s0;
	s0 =	simm.s32 @!p1 $0x0  }
0x14: {  	s2 =	sld [smem:$0x3F9B];
	s0 =	simm.s32 @p1 $0x1  }
0x15: {  	[smem:$0x3FB8] =	sst s0;
	s0 =	simm.s32 @!p2 $0x0  }
0x16: {  	s3 =	sld [smem:$0x3FDB];
	s0 =	simm.s32 @p2 $0x1  }
0x17: {  	s4 =	simm.s32 $0x1BF5;
	[smem:$0x3FBA] =	sst s0  }
0x18: {  	s0 =	sld [smem:$0x3F9D];
	_ =	swait.ge [sflag:s4], $0x0  }
0x19: {  	s7 =	sld [smem:$0x3F9E]  }
0x1a: {  	s8 =	sadd.s32 $0xFFFFE003, lr  }
0x1b: {  	s9 =	sadd.s32 $0xFFFFFEF7, lr;
	s5 =	simm.s32 $0xFFFFFFFF;
	p2 =	slt.u32 s8, $0xFFFFF086  }
0x1c: {  	p1 =	slt.u32 s9, $0xF7A;
	s5 =	simm.s32 @!p2 $0x0  }
0x1d: {  	s5 =	simm.s32 @p1 $0x1;
	p0 =	seq.s32 s7, s2  }
0x1e: {  	s7 =	smul.u32 @!p0 $0xF7A, s2;
	p2 =	seq.s32 @!p0 s5, $0x0  }
0x1f: {  	s9 =	smul.u32 $0xF7A, s1;
	s8 =	simm.s32 @!p0 $0x1BF5;
	p2 =	por !p2, p0  }
0x20: {  	[sflag:s8] =	ssyncset.s32 @!p0 $0xFFFFF086;
	s6 =	sadd.s32 @!p0 s3, s7;
	s7 =	simm.s32 @!p0 $0x108  }
0x21: {  	s3 =	sadd.s32 s3, s9;
	s6 =	sadd.s32 @!p0 $0x88, s6;
	s7 =	simm.s32 @p2 $0x1082  }
0x22: {  	[simem:s7], [sflag:s8] =	dma.local @!p0 [hbm:s6], $0xF7A  }
0x23: {  	s9 =	sor.u32 $0xD0000000, s2;
	s6 =	simm.s32 $0x108;
	_ =	swait.ge @!p0 [sflag:s8], $0x0  }
0x24: {  	s3 =	sadd.s32 $0x88, s3;
	s6 =	simm.s32 @!p1 $0x1082;
	[sflag:s4] =	ssyncset.s32 $0xFFFFF086  }
0x25: {  	[simem:s6], [sflag:s4] =	dma.local [hbm:s3], $0xF7A  }
0x26: {  	[smem:$0x3F9E] =	sst s1;
	(tag) =	ssettag s2;
	_ =	strace s9  }
0x27: {  	s1 =	sld [smem:$0x3FAE]  }
0x28: {  	s2 =	sld [smem:$0x3FAF]  }
0x29: {  	s4 =	sld [smem:$0x3FB1]  }
0x2a: {  	p0 =	seq.s32 s5, $0x0;
	s5 =	sld [smem:$0x3FB2]  }
0x2b: {  	s6 =	sld [smem:$0x3FB3]  }
0x2c: {  	s7 =	sld [smem:$0x3FB4]  }
0x2d: {  	s3 =	simm.s32 $0x108;
	s8 =	sld [smem:$0x3FB5]  }
0x2e: {  	s3 =	simm.s32 @!p0 $0x1082;
	s9 =	sld [smem:$0x3FB6]  }
0x2f: {  	lr =	sadd.s32 s0, s3;
	s0 =	sld [smem:$0x3FAD]  }
0x30: {  	s3 =	sld [smem:$0x3FB0]  }
0x31: {  	[smem:$0x3FB9] =	sst s10  }
0x32: {  	s10 =	sld [smem:$0x3FB7];
	_ =	sdelay $0x3  }
0x33: {  	p0 =	seq.s32 s10, $0x1;
	s10 =	sld [smem:$0x3FB9];
	_ =	sdelay $0x3  }
0x34: {  	[smem:$0x3FB9] =	sst s10  }
0x35: {  	s10 =	sld [smem:$0x3FB8];
	_ =	sdelay $0x3  }
0x36: {  	p1 =	seq.s32 s10, $0x1;
	s10 =	sld [smem:$0x3FB9];
	_ =	sdelay $0x3  }
0x37: {  	[smem:$0x3FB9] =	sst s10  }
0x38: {  	s10 =	sld [smem:$0x3FBA]  }
0x39: {  	_ = 	snop;
	(pc) =	sbr.ind lr, $3  }
0x3a: {  	_ = 	snop  }
0x3b: {  	_ = 	snop  }
0x3c: {  	p2 =	seq.s32 s10, $0x1;
	s10 =	sld [smem:$0x3FB9]  }
0x3d: {  	_ =	shalt  }
0x3e: {  	_ =	shalt  }
0x3f: {  	_ =	shalt  }
0x40: {  	_ =	shalt  }
0x41: {  	_ =	shalt  }
0x42: {  	_ =	shalt  }
0x43: {  	_ =	shalt  }
0x44: {  	_ =	shalt  }
0x45: {  	_ =	shalt  }
0x46: {  	_ =	shalt  }
0x47: {  	_ =	shalt  }
0x48: {  	_ =	shalt  }
0x49: {  	_ =	shalt  }
0x4a: {  	_ =	shalt  }
0x4b: {  	_ =	shalt  }
0x4c: {  	_ =	shalt  }
0x4d: {  	_ =	shalt  }
0x4e: {  	_ =	shalt  }
0x4f: {  	_ =	shalt  }
0x50: {  	_ =	shalt  }
0x51: {  	_ =	shalt  }
0x52: {  	_ =	shalt  }
0x53: {  	_ =	shalt  }
0x54: {  	_ =	shalt  }
0x55: {  	_ =	shalt  }
0x56: {  	_ =	shalt  }
0x57: {  	_ =	shalt  }
0x58: {  	_ =	shalt  }
0x59: {  	_ =	shalt  }
0x5a: {  	_ =	shalt  }
0x5b: {  	_ =	shalt  }
0x5c: {  	_ =	shalt  }
0x5d: {  	_ =	shalt  }
0x5e: {  	_ =	shalt  }
0x5f: {  	_ =	shalt  }
0x60: {  	_ =	shalt  }
0x61: {  	_ =	shalt  }
0x62: {  	_ =	shalt  }
0x63: {  	_ =	shalt  }
0x64: {  	_ =	shalt  }
0x65: {  	_ =	shalt  }
0x66: {  	_ =	shalt  }
0x67: {  	_ =	shalt  }
0x68: {  	_ =	shalt  }
0x69: {  	_ =	shalt  }
0x6a: {  	_ =	shalt  }
0x6b: {  	_ =	shalt  }
0x6c: {  	_ =	shalt  }
0x6d: {  	_ =	shalt  }
0x6e: {  	_ =	shalt  }
0x6f: {  	_ =	shalt  }
0x70: {  	_ =	shalt  }
0x71: {  	_ =	shalt  }
0x72: {  	_ =	shalt  }
0x73: {  	_ =	shalt  }
0x74: {  	_ =	shalt  }
0x75: {  	_ =	shalt  }
0x76: {  	_ =	shalt  }
0x77: {  	_ =	shalt  }
0x78: {  	_ =	shalt  }
0x79: {  	_ =	shalt  }
0x7a: {  	_ =	shalt  }
0x7b: {  	_ =	shalt  }
0x7c: {  	_ =	shalt  }
0x7d: {  	_ =	shalt  }
0x7e: {  	_ =	shalt  }
0x7f: {  	_ =	shalt  }
0x80: {  	_ =	shalt  }
0x81: {  	_ =	shalt  }
0x82: {  	_ =	shalt  }
0x83: {  	_ =	shalt  }
0x84: {  	_ =	shalt  }
0x85: {  	_ =	shalt  }
0x86: {  	_ =	shalt  }
0x87: {  	_ =	shalt  }
.Lfunc_end0:
.L_simem_size_0:
called_computation.1_lowered:
.L_overlay_start_0:
0x88: {  	s2 =	sld [smem:$0x3FD9]  }
0x89: {  	s3 =	sld [smem:$0x3FFE];
	_ =	sdelay $0x1  }
0x8a: {  	s1 =	srdreg.scid  }
0x8b: {  	s0 =	sand.u32 $0x1, s1  }
0x8c: {  	s17 =	sshll.u32 s0, $0xA;
	s2 =	sadd.s32 s3, s2  }
0x8d: {  	s2 =	sadd.s32 s2, s17  }
0x8e: {  	[smem:$0x3FC5] =	sst s2  }
0x8f: {  	_ = 	snop  }
0x90: {  	s2 =	sld [smem:$0x3FD0];
	(tm) =	ssettm $0x1  }
0x91: {  	s18 =	sld [smem:$0x3FFB];
	_ =	sdelay $0x3  }
0x92: {  	_ =	strace s18  }
0x93: {  	s3 =	sld [smem:$0x3FFC];
	_ =	sdelay $0x3  }
0x94: {  	_ =	strace s3  }
0x95: {  	s3 =	sld [smem:$0x3FFD];
	_ =	sdelay $0x3  }
0x96: {  	_ =	strace s3  }
0x97: {  	_ =	strace $0x8FFFFFFF  }
0x98: {  	s19 =	sld [smem:$0x3FDB];
	_ =	sdelay $0x1  }
0x99: {  	s4 =	simm.s32 $_scs_section_size  }
0x9a: {  	s5 =	simm.s32 $_size__tile_overlayer_lowered;
	s6 =	simm.s32 $_tile_overlayer_lowered  }
0x9b: {  	s22 =	simm.s32 $0x1BFF;
	s21 =	sshll.u32 s6, $0x1;
	s3 =	sadd.s32 s4, s19  }
0x9c: {  	s7 =	simm.s32 $0x0;
	s20 =	sshll.u32 s5, $0x1;
	s5 =	sadd.s32 s21, s3  }
0x9d: {  	[timem:s7], [sflag:s22] =	dma.local [hbm:s5], s20  }
0x9e: {  	_ =	swait.ge [sflag:s22], s20  }
0x9f: {  	s4 =	ssub.s32 $0x0, s20;
	[sflag:s22] =	ssyncset.done $0x0  }
0xa0: {  	[sflag:s22] =	ssyncadd.s32 s4;
	_ =	sdelay $0x1  }
0xa1: {  	s23 =	simm.s32 $0x1B8B  }
0xa2: {  	_ =	swait.ge [sflag:s23], $0x1  }
0xa3: {  	[sflag:s23] =	ssyncset.done $0x0  }
0xa4: {  	s25 =	simm.s32 $0x1B8E;
	s24 =	sld [smem:$0x3FFE];
	[sflag:s23] =	ssyncadd.s32 $0xFFFFFFFF  }
0xa5: {  	s26 =	simm.s32 $execute0_lowered;
	[smem:$0x3FD2] =	sst s25  }
0xa6: {  	s5 =	sshll.u32 s26, $0x1;
	_ =	strace $0x80000049;
	[dreg:$0x1] =	wrdreg $0xFFFFFFFF  }
0xa7: {  	s28 =	simm.s32 $_size_execute0_lowered;
	s3 =	sadd.s32 s3, s5;
	[dreg:$0x0] =	wrdreg $0x0  }
0xa8: {  	s5 =	sshll.u32 s28, $0x1;
	[dreg:$0x2] =	wrdreg s3  }
0xa9: {  	[dreg:$0x3] =	wrdreg s5  }
0xaa: {  	[dreg:$0x4] =	wrdreg $0xC0  }
0xab: {  	_ =	task [dreg:s7], $0x5FFFF  }
0xac: {  	[dreg:$0x1] =	wrdreg $0xFFFFFFFF  }
0xad: {  	[dreg:$0x0] =	wrdreg $0x60  }
0xae: {  	[dreg:$0x2] =	wrdreg s24  }
0xaf: {  	[dreg:$0x3] =	wrdreg s2  }
0xb0: {  	[dreg:$0x4] =	wrdreg $0x9  }
0xb1: {  	_ =	task.clear_ibuf [dreg:s7], $0x5FFFF;
	_ =	strace $0x90000049  }
0xb2: {  	s29 =	simm.s32 $0x9;
	_ =	strace $0x8000004B  }
0xb3: {  	_ =	swait.ge [sflag:s29], $0x1  }
0xb4: {  	[sflag:s29] =	ssyncadd.s32 $0xFFFFFFFF  }
0xb5: {  	_ =	strace $0x9000004B  }
0xb6: {  	_ =	sfence  }
0xb7: {  	s30 =	sld [smem:$0x0];
	_ =	sdelay $0x2  }
0xb8: {  	s31 =	sshll.u32 s1, $0xD;
	s1 =	sshrl.u32 s1, $0x2  }
0xb9: {  	s3 =	sand.u32 $0x4000, s31;
	s1 =	sadd.s32 s1, s30  }
0xba: {  	s0 =	sor.u32 s3, s0;
	s1 =	sshll.u32 s1, $0x11  }
0xbb: {  	s0 =	sor.u32 s1, s0  }
0xbc: {  	s0 =	sadd.s32 $0x8F2B, s0  }
0xbd: {  	[sflag:s0] =	ssyncadd.remote.s32 $0x1  }
0xbe: {  	_ =	sfence.sel $0xFFFF  }
0xbf: {  	[dreg:$0x0] =	wrdreg $0xFFFFFFFF;
	(pc) =	sbr.abs _section_cstart, $3  }
0xc0: {  	[dreg:$0x1] =	wrdreg $0xFFFFFFFF  }
0xc1: {  	_ =	task.clear_ibuf [dreg:s7], $0x2FFFF;
	_ =	strace $0x9FFFFFFF  }
0xc2: {  	(tm) =	ssettm $0x7FFFFFFF  }
0xc3: {  	_ =	shalt  }
tec
execute0_lowered:
.L_overlay_start_1:
0x0: {  	(tag) =	ssettag $0x1  }
0x1: {  	s5 =	rddreg [dreg:$0x0]  }
0x2: {  	s7 =	rddreg [dreg:$0x1]  }
0x3: {  	s0 =	rddreg [dreg:$0x2]  }
0x4: {  	s3 =	srdreg.scid;
	s1 =	stileid.u32;
	s2 =	simm.s32 $0x0  }
0x5: {  	s11 =	simm.s32 $0x200;
	s12 =	simm.s32 $0xA00;
	s13 =	simm.s32 $0x100  }
0x6: {  	s14 =	simm.s32 $0x1200;
	s15 =	simm.s32 $0x180;
	s16 =	simm.s32 $0x1A00  }
0x7: {  	s17 =	simm.s32 $0x4200;
	s18 =	simm.s32 $0x1;
	s19 =	simm.s32 $0x4210  }
0x8: {  	s20 =	simm.s32 $0x2200;
	s21 =	simm.s32 $0x0;
	s4 =	sand.u32 $0x1, s3  }
0x9: {  	s31 =	sshll.u32 s1, $0x1;
	[smem:$0x7FF] =	sst s2;
	s3 =	sadd.s32 $0x200, s5  }
0xa: {  	s8 =	sor.u32 s4, s31;
	_ =	strace $0x8000004A;
	s9 =	ssub.s32 $0x2, s4  }
0xb: {  	s4 =	sadd.s32 $0x4F6200, s5;
	s6 =	sshll.u32 s8, $0x6;
	s10 =	sshrl.u32 s9, $0x1  }
0xc: {  	s8 =	sshll.u32 s8, $0xA;
	s6 =	sadd.s32 s6, s5;
	s5 =	sadd.s32 $0x503400, s5  }
0xd: {  	s9 =	ssub.s32 s9, s10;
	s7 =	sadd.s32 s7, s8;
	s10 =	simm.s32 $0x80  }
0xe: {  	v0 =	vimm.f32 $0.0e+00;
	s6 =	sadd.s32 $0x4F6400, s6;
	s8 =	smax.u32 s9, $0x1;
	s9 =	simm.s32 $0x2  }
.LBB2_1:
0xf: {  	s22 =	simm.s32 $0x40;
	s23 =	simm.s32 $0x0  }
.LBB2_2:
0x10: {  	p0 =	sne.s32 s22, $0x7FC0;
	[tilespmem:s23+$0x2200] =	vst v0;
	s23 =	smov.u32 s22;
	s22 =	sadd.s32 $0x40, s22  }
.Ltmp0:
0x11: {  	(pc) =	sbr.rel @p0 .LBB2_2-.Ltmp0, $2  }
0x12: {  	_ =	sdelay $0x2  }
0x13: {  	s23 =	sshra.s32 s23, $0x2  }
0x14: {  	[tilespmem:s23+$0x2200] =	vst v0;
	s22 =	simm.s32 $0x0;
	s23 =	simm.s32 $0x0  }
.LBB2_4:
0x15: {  	s24 =	sshll.u32 s23, $0xB  }
0x16: {  	s24 =	sadd.s32 s24, s6  }
0x17: {  	[tilespmem:s22], [sflag:$0x2] =	stream.linear.gather [hbm4b:s24+s22], $0x200, $0x38;
	[tilespmem:$0x4220] =	vst v63  }
0x18: {  	_ =	swait.ge [sflag:s9], $0x200  }
0x19: {  	[sflag:s9] =	ssyncset.done $0x0  }
0x1a: {  	[sflag:s9] =	ssyncadd.s32 $0xFFFFFE00  }
0x1b: {  	[tilespmem:s11], [sflag:$0x1] =	stream.indirect.gather [hbm4b:s3+s10], $0x10, s22, s10, $0xb8;
	[tilespmem:$0x4220] =	vst v63  }
0x1c: {  	_ = 	snop  }
0x1d: {  	[tilespmem:s12], [sflag:$0x1] =	stream.indirect.gather [hbm4b:s3+s10], $0x10, s10, s10, $0xb8;
	[tilespmem:$0x4220] =	vst v63  }
0x1e: {  	_ = 	snop  }
0x1f: {  	[tilespmem:s14], [sflag:$0x1] =	stream.indirect.gather [hbm4b:s3+s10], $0x10, s13, s10, $0xb8;
	[tilespmem:$0x4220] =	vst v63  }
0x20: {  	s31 =	sshll.u32 s23, $0x1  }
0x21: {  	[tilespmem:s16], [sflag:$0x1] =	stream.indirect.gather [hbm4b:s3+s10], $0x10, s15, s10, $0xb8;
	[tilespmem:$0x4220] =	vst v63  }
0x22: {  	s24 =	sadd.s32 s4, s31  }
0x23: {  	[tilespmem:s17], [sflag:$0x2] =	stream.linear.gather [hbm4b:s24+s22], $0x10, $0x38;
	[tilespmem:$0x4220] =	vst v63  }
0x24: {  	_ =	swait.ge [sflag:s9], $0x10  }
0x25: {  	[sflag:s9] =	ssyncset.done $0x0  }
0x26: {  	[sflag:s9] =	ssyncadd.s32 $0xFFFFFFF0  }
0x27: {  	_ =	swait.ge [sflag:s18], $0x800  }
0x28: {  	[sflag:s18] =	ssyncset.done $0x0  }
0x29: {  	[sflag:s18] =	ssyncadd.s32 $0xFFFFF800  }
0x2a: {  	_ =	swait.ge [sflag:s18], $0x800  }
0x2b: {  	[sflag:s18] =	ssyncset.done $0x0  }
0x2c: {  	[sflag:s18] =	ssyncadd.s32 $0xFFFFF800  }
0x2d: {  	_ =	swait.ge [sflag:s18], $0x800  }
0x2e: {  	[sflag:s18] =	ssyncset.done $0x0  }
0x2f: {  	[sflag:s18] =	ssyncadd.s32 $0xFFFFF800  }
0x30: {  	_ =	swait.ge [sflag:s18], $0x800  }
0x31: {  	[sflag:s18] =	ssyncset.done $0x0  }
0x32: {  	s25 =	simm.s32 $0x0;
	[sflag:s18] =	ssyncadd.s32 $0xFFFFF800  }
0x33: {  	v2 =	vld [tilespmem:s25+$0x200];
	_ =	sdelay $0x1  }
0x34: {  	v1 =	vld [tilespmem:$0x4200];
	_ =	sdelay $0x2  }
0x35: {  	v3 =	vmul.f32 $-2.560000000e+02, v2  }
0x36: {  	s24 =	simm.s32 $0x10  }
0x37: {  	s26 =	simm.s32 $0x80;
	v2 =	vld [tilespmem:s24+$0x200];
	v3 =	vadd.f32 v3, v1  }
.LBB2_5:
0x38: {  	p0 =	sne.s32 s26, $0x7FC0;
	v4 =	vld [tilespmem:s25+$0x2200]  }
0x39: {  	v3 =	vadd.f32 $1.258291200e+07, v3;
	_ =	sdelay $0x1  }
.Ltmp1:
0x3a: {  	v3 =	vadd.f32 $-1.258291200e+07, v3;
	(pc) =	sbr.rel @p0 .LBB2_5-.Ltmp1, $4  }
0x3b: {  	_ = 	snop  }
0x3c: {  	v5 =	vmul.f32 $-2.560000000e+02, v2;
	v4 =	vadd.f32 v3, v4  }
0x3d: {  	s28 =	sshra.s32 s26, $0x2  }
0x3e: {  	s26 =	sadd.s32 $0x40, s26;
	v3 =	vadd.f32 v5, v1;
	v2 =	vld [tilespmem:s28+$0x200];
	[tilespmem:s25+$0x2200] =	vst v4;
	s25 =	smov.u32 s24;
	s24 =	smov.u32 s28  }
0x3f: {  	v4 =	vld [tilespmem:s25+$0x2200]  }
0x40: {  	v3 =	vadd.f32 $1.258291200e+07, v3;
	_ =	sdelay $0x1  }
0x41: {  	v3 =	vadd.f32 $-1.258291200e+07, v3;
	_ =	sdelay $0x1  }
0x42: {  	v2 =	vmul.f32 $-2.560000000e+02, v2;
	v3 =	vadd.f32 v3, v4;
	_ =	sdelay $0x1  }
0x43: {  	v1 =	vadd.f32 v2, v1;
	[tilespmem:s25+$0x2200] =	vst v3  }
0x44: {  	v2 =	vld [tilespmem:s24+$0x2200]  }
0x45: {  	s23 =	sadd.s32 $0x1, s23;
	v1 =	vadd.f32 $1.258291200e+07, v1  }
0x46: {  	p0 =	sne.s32 s23, $0x1A  }
.Ltmp2:
0x47: {  	v1 =	vadd.f32 $-1.258291200e+07, v1;
	(pc) =	sbr.rel @p0 .LBB2_4-.Ltmp2, $3  }
0x48: {  	_ = 	snop  }
0x49: {  	v1 =	vadd.f32 v1, v2;
	_ =	sdelay $0x1  }
0x4a: {  	[tilespmem:s24+$0x2200] =	vst v1  }
0x4b: {  	s22 =	simm.s32 $0x0  }
0x4c: {  	[tilespmem:s19], [sflag:$0x2] =	stream.linear.gather [hbm4b:s5+s22], $0x10, $0x38;
	[tilespmem:$0x4220] =	vst v63  }
0x4d: {  	_ =	swait.ge [sflag:s9], $0x10  }
0x4e: {  	[sflag:s9] =	ssyncset.done $0x0  }
0x4f: {  	[sflag:s9] =	ssyncadd.s32 $0xFFFFFFF0  }
0x50: {  	s23 =	simm.s32 $0x40;
	s22 =	simm.s32 $0x0;
	v1 =	vld [tilespmem:$0x4210]  }
.LBB2_8:
0x51: {  	p0 =	sne.s32 s23, $0x7FC0;
	v2 =	vld [tilespmem:s22+$0x2200];
	_ =	sdelay $0x4  }
.Ltmp3:
0x52: {  	v2 =	vmul.f32 $-3.906250000e-03, v2;
	(pc) =	sbr.rel @p0 .LBB2_8-.Ltmp3, $3  }
0x53: {  	_ = 	snop  }
0x54: {  	v2 =	vadd.f32 v2, v1;
	_ =	sdelay $0x1  }
0x55: {  	[tilespmem:s22+$0x2200] =	vst v2;
	s22 =	sshra.s32 s23, $0x2;
	s23 =	sadd.s32 $0x40, s23  }
0x56: {  	v2 =	vld [tilespmem:s22+$0x2200];
	_ =	sdelay $0x4  }
0x57: {  	v2 =	vmul.f32 $-3.906250000e-03, v2;
	_ =	sdelay $0x1  }
0x58: {  	s21 =	sadd.s32 $0x1, s21;
	v1 =	vadd.f32 v2, v1  }
0x59: {  	p0 =	sne.s32 s21, s8  }
.Ltmp4:
0x5a: {  	[tilespmem:s22+$0x2200] =	vst v1;
	(pc) =	sbr.rel @p0 .LBB2_1-.Ltmp4, $4  }
0x5b: {  	[hbm4b:s7+s2] =	stream.linear.scatter [tilespmem:s20], [sflag:$0x2], $0x2000, $0x38;
	[tilespmem:$0x4220] =	vst v63  }
0x5c: {  	_ =	swait.ge [sflag:s9], $0x2000  }
0x5d: {  	[sflag:s9] =	ssyncset.done $0x0  }
0x5e: {  	[sflag:s9] =	ssyncadd.s32 $0xFFFFE000  }
0x5f: {  	_ =	sfence.sel $0x180000  }
0x60: {  	[bflag:$0x0] =	sbarrier.arrive $0xFFFF  }
0x61: {  	p0 =	sne.s32 s1, $0x0;
	_ =	strace $0x9000004A  }
0x62: {  	s0 =	sadd.s32 @!p0 $0x100000, s0;
	[bflag:$0x2] =	sbarrier.arrive $0xFFFF  }
0x63: {  	[sflag:s0] =	ssyncadd.tile.s32 @!p0 $0x1;
	_ =	shalt  }
.Lfunc_end2:
_tile_overlayer_lowered:
.L_overlay_start_2:
0x64: {  	(tag) =	ssettag $0x2  }
0x65: {  	s0 =	rddreg [dreg:$0x0];
	s2 =	stileid.u32  }
0x66: {  	s1 =	rddreg [dreg:$0x1];
	p0 =	sne.s32 s2, $0x0  }
0x67: {  	s3 =	rddreg [dreg:$0x2];
	[bflag:$0x3] =	sbarrier.arrive $0xFFFF;
	s2 =	simm.s32 @!p0 $0x1C02  }
0x68: {  	[timem:s3], [sflag:s2] =	dma.local @!p0 [hbm:s0], s1  }
0x69: {  	s0 =	simm.s32 @!p0 $0x2  }
0x6a: {  	_ =	swait.ge @!p0 [sflag:s0], s1  }
0x6b: {  	s1 =	ssub.s32 @!p0 $0x0, s1;
	[sflag:s0] =	ssyncset.done @!p0 $0x0  }
0x6c: {  	[sflag:s0] =	ssyncadd.s32 @!p0 s1  }
0x6d: {  	[bflag:$0x3] =	sbarrier.arrive $0xFFFF  }
0x6e: {  	_ =	shalt  }

</sc_bundles>
